<compile_context>
chip_gen: v7x
topology: tpu7x:2x2x1
jax: 0.10.2.dev20260603
libtpu: 0.0.44.dev20260713+nightly
codegen_flags: <defaults>
</compile_context>

<pallas_src>
import functools

import jax
import jax.numpy as jnp
from jax import lax
from jax.experimental import pallas as pl
from jax.experimental.pallas import tpu as pltpu
from jax.experimental.pallas import tpu_sc as plsc

B = 16
L = 512
D = 256
NH = 4
DH = 64
T = 1000
TP = 1024
NW = 32
NCH = 8
CH = (B * L) // (NW * NCH)


@functools.partial(
    pl.kernel,
    mesh=plsc.VectorSubcoreMesh(core_axis_name="c", subcore_axis_name="s"),
    out_type=jax.ShapeDtypeStruct((B * L, TP), jnp.float32),
    scratch_types=[
        pltpu.VMEM((NCH, CH), jnp.int32),
        pltpu.VMEM((2, CH, TP), jnp.float32),
        pltpu.SemaphoreType.DMA,
        pltpu.SemaphoreType.DMA,
    ],
)
def _sc_row_gather(A_hbm, idx_hbm, out_hbm, idx_v, rows_v, sem0, sem1):
    wid = lax.axis_index("s") * 2 + lax.axis_index("c")
    pltpu.sync_copy(idx_hbm.at[wid], idx_v)
    sems = (sem0, sem1)
    copies = [None, None]
    copies[0] = pltpu.async_copy(A_hbm.at[idx_v.at[0]], rows_v.at[0], sems[0])
    for j in range(NCH):
        p = j % 2
        if j + 1 < NCH:
            pn = (j + 1) % 2
            copies[pn] = pltpu.async_copy(
                A_hbm.at[idx_v.at[j + 1]], rows_v.at[pn], sems[pn])
        copies[p].wait()
        base = wid * (NCH * CH) + j * CH
        pltpu.sync_copy(rows_v.at[p], out_hbm.at[pl.ds(base, CH)])


def _tc_body(t_ref, ar_ref, x_ref, u_ref, Wb0_ref, Wu0_ref, b0_ref,
             Wb1_ref, Wu1_ref, b1_ref, out_ref):
    t_idx = t_ref[0, 0, :]
    Ar = ar_ref[0].astype(jnp.bfloat16)
    x = x_ref[0]
    u = u_ref[0]

    rows = lax.broadcasted_iota(jnp.int32, (TP, L), 0)
    Pt = (rows == t_idx[None, :]).astype(jnp.bfloat16)

    Asub = jnp.dot(Ar, Pt, preferred_element_type=jnp.float32)
    Asub_b = Asub.astype(jnp.bfloat16)

    r2 = lax.broadcasted_iota(jnp.int32, (L, L), 0)
    c2 = lax.broadcasted_iota(jnp.int32, (L, L), 1)
    diag = jnp.sum(jnp.where(r2 == c2, Asub, 0.0), axis=0)
    S = jnp.sum(diag)
    deg = jnp.sum(Asub, axis=1) + S + 1e-8
    inv_deg = (1.0 / deg)[:, None]

    ub = u.astype(jnp.bfloat16)

    def layer(xin, Wb_ref, Wu_ref, b_ref):
        cd = jnp.sum(diag[:, None] * xin, axis=0)
        g = jnp.dot(Asub_b, xin.astype(jnp.bfloat16),
                    preferred_element_type=jnp.float32)
        msg = (g + cd[None, :]) * inv_deg
        h = jnp.dot(msg.astype(jnp.bfloat16), Wb_ref[...],
                    preferred_element_type=jnp.float32)
        U = jnp.dot(ub, Wu_ref[...],
                    preferred_element_type=jnp.float32) + b_ref[0][None, :]
        return jnp.maximum(h + U, 0.0) + xin

    x1 = layer(x, Wb0_ref, Wu0_ref, b0_ref)
    x2 = layer(x1, Wb1_ref, Wu1_ref, b1_ref)
    out_ref[0, 0, :] = jnp.mean(x2, axis=0)


def kernel(user_id, event_type, enc_output, user_output, adjacent_matrix,
           W0, Wu0, b0, W1, Wu1, b1):
    t = event_type.astype(jnp.int32) - 1
    t = jnp.where(t < 0, t + 1000, t)
    A_pad = jnp.pad(adjacent_matrix, ((0, 0), (0, TP - T)))

    arows = _sc_row_gather(A_pad, t.reshape(NW, NCH, CH))
    b0r = b0.reshape(1, D)
    b1r = b1.reshape(1, D)
    hmask = (jnp.arange(NH)[:, None, None, None] ==
             jnp.arange(NH)[None, None, :, None])
    Wb0 = jnp.where(hmask, W0[:, :, None, :], 0.0)
    Wb0 = Wb0.reshape(D, D).astype(jnp.bfloat16)
    Wb1 = jnp.where(hmask, W1[:, :, None, :], 0.0)
    Wb1 = Wb1.reshape(D, D).astype(jnp.bfloat16)
    Wu0b = Wu0.astype(jnp.bfloat16)
    Wu1b = Wu1.astype(jnp.bfloat16)

    out = pl.pallas_call(
        _tc_body,
        grid=(B,),
        in_specs=[
            pl.BlockSpec((1, 1, L), lambda b: (b, 0, 0)),
            pl.BlockSpec((1, L, TP), lambda b: (b, 0, 0)),
            pl.BlockSpec((1, L, D), lambda b: (b, 0, 0)),
            pl.BlockSpec((1, L, D), lambda b: (b, 0, 0)),
            pl.BlockSpec((D, D), lambda b: (0, 0)),
            pl.BlockSpec((D, D), lambda b: (0, 0)),
            pl.BlockSpec((1, D), lambda b: (0, 0)),
            pl.BlockSpec((D, D), lambda b: (0, 0)),
            pl.BlockSpec((D, D), lambda b: (0, 0)),
            pl.BlockSpec((1, D), lambda b: (0, 0)),
        ],
        out_specs=pl.BlockSpec((1, 1, D), lambda b: (b, 0, 0)),
        out_shape=jax.ShapeDtypeStruct((B, 1, D), jnp.float32),
    )(t.reshape(B, 1, L), arows.reshape(B, L, TP), enc_output, user_output,
      Wb0, Wu0b, b0r, Wb1, Wu1b, b1r)
    return out.reshape(B, D)

# --- scband reference (transcript-rebuilt; emitter-appended) ---
"""Pipeline reference for scband-encoder-11510512353957 (READ-ONLY COPY).

The authoritative reference and input builder live on the scoring server;
editing this copy changes nothing except your own understanding.
"""

import jax, jax.numpy as jnp
import numpy as np

B = 16
L = 512
D_MODEL = 256
N_HEAD = 4
N_LAYERS = 2
NUM_TYPES = 1000


def setup_inputs(seed: int = 0) -> dict:
    key = jax.random.key(seed)
    ks = jax.random.split(key, 12)
    dh = D_MODEL // N_HEAD
    inp = {}
    inp["user_id"] = jax.random.randint(ks[0], (B,), 0, 10000, dtype=jnp.int64 if jax.config.jax_enable_x64 else jnp.int32)
    inp["event_type"] = jax.random.randint(ks[1], (B, L), 0, NUM_TYPES, dtype=jnp.int64 if jax.config.jax_enable_x64 else jnp.int32)
    inp["enc_output"] = jax.random.normal(ks[2], (B, L, D_MODEL), dtype=jnp.float32)
    inp["user_output"] = jax.random.normal(ks[3], (B, L, D_MODEL), dtype=jnp.float32)
    inp["adjacent_matrix"] = jax.random.uniform(ks[4], (NUM_TYPES, NUM_TYPES), dtype=jnp.float32)
    inp["W0"] = jax.random.normal(ks[5], (N_HEAD, dh, dh), dtype=jnp.float32) * (1.0 / np.sqrt(dh))
    inp["Wu0"] = jax.random.normal(ks[6], (D_MODEL, D_MODEL), dtype=jnp.float32) * (1.0 / np.sqrt(D_MODEL))
    inp["b0"] = jnp.zeros((D_MODEL,), dtype=jnp.float32)
    inp["W1"] = jax.random.normal(ks[7], (N_HEAD, dh, dh), dtype=jnp.float32) * (1.0 / np.sqrt(dh))
    inp["Wu1"] = jax.random.normal(ks[8], (D_MODEL, D_MODEL), dtype=jnp.float32) * (1.0 / np.sqrt(D_MODEL))
    inp["b1"] = jnp.zeros((D_MODEL,), dtype=jnp.float32)
    return inp


def _build_adj_one(A, e):
    # adj[i] = A[e-1, :][:, e-1] + A[e-1, e-1]  (second term broadcasts along rows)
    idx = e - 1
    sub = A[idx][:, idx]          # [L, L] gather
    diag = A[idx, idx]            # [L]
    return sub + diag[None, :]


def _hgcn_layer(x, u, adj, W, Wu, b):
    # row-normalized multi-head graph convolution with user-conditioned gate
    deg = jnp.sum(adj, axis=-1, keepdims=True) + 1e-8
    adj_n = adj / deg
    msg = jnp.einsum('bij,bjd->bid', adj_n, x)
    Bb, Ll, Dd = msg.shape
    dh = Dd // N_HEAD
    h = msg.reshape(Bb, Ll, N_HEAD, dh)
    h = jnp.einsum('blhd,hde->blhe', h, W).reshape(Bb, Ll, Dd)
    return jax.nn.relu(h + u @ Wu + b)


def reference(user_id, event_type, enc_output, user_output, adjacent_matrix, W0, Wu0, b0, W1, Wu1, b1):
    adj = jax.vmap(lambda e: _build_adj_one(adjacent_matrix, e))(event_type)  # [B, L, L]
    x = enc_output
    for (W, Wu, b) in ((W0, Wu0, b0), (W1, Wu1, b1)):
        residual = x
        x = _hgcn_layer(x, user_output, adj, W, Wu, b)
        x = x + residual  # C.DATASET == 'douban-book' branch
    return x.mean(axis=1)

if __name__ == "__main__":
    import jax
    _d = setup_inputs()
    print(jax.jit(kernel)(*tuple(_d.values())))

</pallas_src>

<mosaic_0001>
#map = affine_map<(d0, d1) -> (0, 0)>
#map1 = affine_map<(d0, d1) -> (0, 0, 0)>
module attributes {stable_mosaic.version = 14 : i64} {
  func.func @_sc_row_gather(%arg0: i32, %arg1: i32, %arg2: memref<1000x1024xf32, #tpu.memory_space<hbm>>, %arg3: memref<32x8x32xi32, #tpu.memory_space<hbm>>, %arg4: memref<8192x1024xf32, #tpu.memory_space<hbm>>, %arg5: memref<8x32xi32, #tpu.memory_space<vmem>>, %arg6: memref<2x32x1024xf32, #tpu.memory_space<vmem>>, %arg7: memref<!tpu.dma_semaphore, #tpu.memory_space<semaphore_mem>>, %arg8: memref<!tpu.dma_semaphore, #tpu.memory_space<semaphore_mem>>) attributes {dimension_semantics = [#tpu.dimension_semantics<core_parallel>, #tpu.dimension_semantics<subcore_parallel>], iteration_bounds = array<i64: 2, 16>, scalar_prefetch = 0 : i64, scratch_operands = 4 : i64, tpu.core_type = #tpu.core_type<sc_vector_subcore>, window_params = [{transform_indices = #map}, {transform_indices = #map1}, {transform_indices = #map}]} {
    %mul3A = arith.constant 2 : i32
    %mul3A_0 = arith.muli %arg1, %mul3A : i32
    %add3A = arith.addi %mul3A_0, %arg0 : i32
    "tpu.region"() ({
      %run_scoped3A_230 = tpu.sem_alloc : memref<!tpu.dma_semaphore, #tpu.memory_space<semaphore_mem>>
      %dma_start3A_231 = arith.constant 0 : i32
      %dma_start3A_232 = arith.constant 0 : i32
      %dma_start3A_233 = tpu.memref_slice %arg3[%add3A, %dma_start3A_231, %dma_start3A_232] : memref<32x8x32xi32, #tpu.memory_space<hbm>> -> memref<1x8x32xi32, #tpu.memory_space<hbm>>
      %dma_start3A_234 = tpu.memref_squeeze %dma_start3A_233 : memref<1x8x32xi32, #tpu.memory_space<hbm>> -> memref<8x32xi32, #tpu.memory_space<hbm>>
      %dma_start3A_235 = arith.constant 0 : i32
      %dma_start3A_236 = arith.constant 0 : i32
      %dma_start3A_237 = tpu.memref_slice %arg3[%add3A, %dma_start3A_235, %dma_start3A_236] : memref<32x8x32xi32, #tpu.memory_space<hbm>> -> memref<1x8x32xi32, #tpu.memory_space<hbm>>
      %dma_start3A_238 = tpu.memref_squeeze %dma_start3A_237 : memref<1x8x32xi32, #tpu.memory_space<hbm>> -> memref<8x32xi32, #tpu.memory_space<hbm>>
      tpu.enqueue_dma source(%dma_start3A_238 : memref<8x32xi32, #tpu.memory_space<hbm>>) target(%arg5 : memref<8x32xi32, #tpu.memory_space<vmem>>) target_semaphore(%run_scoped3A_230 : memref<!tpu.dma_semaphore, #tpu.memory_space<semaphore_mem>>)
      %dma_wait3A_239 = arith.constant 0 : i32
      %dma_wait3A_240 = arith.constant 0 : i32
      %dma_wait3A_241 = tpu.memref_slice %arg3[%add3A, %dma_wait3A_239, %dma_wait3A_240] : memref<32x8x32xi32, #tpu.memory_space<hbm>> -> memref<1x8x32xi32, #tpu.memory_space<hbm>>
      %dma_wait3A_242 = tpu.memref_squeeze %dma_wait3A_241 : memref<1x8x32xi32, #tpu.memory_space<hbm>> -> memref<8x32xi32, #tpu.memory_space<hbm>>
      %dma_wait3A_243 = arith.constant 0 : i32
      %dma_wait3A_244 = arith.constant 0 : i32
      %dma_wait3A_245 = tpu.memref_slice %arg3[%add3A, %dma_wait3A_243, %dma_wait3A_244] : memref<32x8x32xi32, #tpu.memory_space<hbm>> -> memref<1x8x32xi32, #tpu.memory_space<hbm>>
      %dma_wait3A_246 = tpu.memref_squeeze %dma_wait3A_245 : memref<1x8x32xi32, #tpu.memory_space<hbm>> -> memref<8x32xi32, #tpu.memory_space<hbm>>
      tpu.wait_dma2 semaphore(%run_scoped3A_230 : memref<!tpu.dma_semaphore, #tpu.memory_space<semaphore_mem>>) src(%dma_wait3A_246 : memref<8x32xi32, #tpu.memory_space<hbm>>) dst(%arg5 : memref<8x32xi32, #tpu.memory_space<vmem>>)
      tpu.yield
    }) : () -> ()
    %dma_start3A = arith.constant 0 : i32
    %dma_start3A_1 = arith.constant 0 : i32
    %dma_start3A_2 = arith.constant 0 : i32
    %dma_start3A_3 = arith.constant 0 : i32
    %dma_start3A_4 = tpu.memref_slice %arg6[%dma_start3A_1, %dma_start3A_2, %dma_start3A_3] : memref<2x32x1024xf32, #tpu.memory_space<vmem>> -> memref<1x32x1024xf32, #tpu.memory_space<vmem>>
    %dma_start3A_5 = tpu.memref_squeeze %dma_start3A_4 : memref<1x32x1024xf32, #tpu.memory_space<vmem>> -> memref<32x1024xf32, #tpu.memory_space<vmem>>
    %dma_start3A_6 = arith.constant 0 : i32
    %dma_start3A_7 = tpu.memref_slice %arg5[%dma_start3A, %dma_start3A_6] : memref<8x32xi32, #tpu.memory_space<vmem>> -> memref<1x32xi32, #tpu.memory_space<vmem>>
    %dma_start3A_8 = tpu.memref_squeeze %dma_start3A_7 : memref<1x32xi32, #tpu.memory_space<vmem>> -> memref<32xi32, #tpu.memory_space<vmem>>
    %dma_start3A_9 = arith.constant 0 : i32
    %dma_start3A_10 = arith.constant 0 : i32
    %dma_start3A_11 = tpu.memref_slice %arg2[%dma_start3A_9, %dma_start3A_10] : memref<1000x1024xf32, #tpu.memory_space<hbm>> -> memref<1000x1024xf32, #tpu.memory_space<hbm>>
    tpu.enqueue_indirect_dma source(%dma_start3A_11 : memref<1000x1024xf32, #tpu.memory_space<hbm>>) target(%dma_start3A_5 : memref<32x1024xf32, #tpu.memory_space<vmem>>) offsets(%dma_start3A_8 : memref<32xi32, #tpu.memory_space<vmem>>) semaphore(%arg7 : memref<!tpu.dma_semaphore, #tpu.memory_space<semaphore_mem>>)
    %dma_start3A_12 = arith.constant 1 : i32
    %dma_start3A_13 = arith.constant 1 : i32
    %dma_start3A_14 = arith.constant 0 : i32
    %dma_start3A_15 = arith.constant 0 : i32
    %dma_start3A_16 = tpu.memref_slice %arg6[%dma_start3A_13, %dma_start3A_14, %dma_start3A_15] : memref<2x32x1024xf32, #tpu.memory_space<vmem>> -> memref<1x32x1024xf32, #tpu.memory_space<vmem>>
    %dma_start3A_17 = tpu.memref_squeeze %dma_start3A_16 : memref<1x32x1024xf32, #tpu.memory_space<vmem>> -> memref<32x1024xf32, #tpu.memory_space<vmem>>
    %dma_start3A_18 = arith.constant 0 : i32
    %dma_start3A_19 = tpu.memref_slice %arg5[%dma_start3A_12, %dma_start3A_18] : memref<8x32xi32, #tpu.memory_space<vmem>> -> memref<1x32xi32, #tpu.memory_space<vmem>>
    %dma_start3A_20 = tpu.memref_squeeze %dma_start3A_19 : memref<1x32xi32, #tpu.memory_space<vmem>> -> memref<32xi32, #tpu.memory_space<vmem>>
    %dma_start3A_21 = arith.constant 0 : i32
    %dma_start3A_22 = arith.constant 0 : i32
    %dma_start3A_23 = tpu.memref_slice %arg2[%dma_start3A_21, %dma_start3A_22] : memref<1000x1024xf32, #tpu.memory_space<hbm>> -> memref<1000x1024xf32, #tpu.memory_space<hbm>>
    tpu.enqueue_indirect_dma source(%dma_start3A_23 : memref<1000x1024xf32, #tpu.memory_space<hbm>>) target(%dma_start3A_17 : memref<32x1024xf32, #tpu.memory_space<vmem>>) offsets(%dma_start3A_20 : memref<32xi32, #tpu.memory_space<vmem>>) semaphore(%arg8 : memref<!tpu.dma_semaphore, #tpu.memory_space<semaphore_mem>>)
    %dma_wait3A = arith.constant 0 : i32
    %dma_wait3A_24 = arith.constant 0 : i32
    %dma_wait3A_25 = arith.constant 0 : i32
    %dma_wait3A_26 = arith.constant 0 : i32
    %dma_wait3A_27 = tpu.memref_slice %arg6[%dma_wait3A_24, %dma_wait3A_25, %dma_wait3A_26] : memref<2x32x1024xf32, #tpu.memory_space<vmem>> -> memref<1x32x1024xf32, #tpu.memory_space<vmem>>
    %dma_wait3A_28 = tpu.memref_squeeze %dma_wait3A_27 : memref<1x32x1024xf32, #tpu.memory_space<vmem>> -> memref<32x1024xf32, #tpu.memory_space<vmem>>
    %dma_wait3A_29 = arith.constant 0 : i32
    %dma_wait3A_30 = tpu.memref_slice %arg5[%dma_wait3A, %dma_wait3A_29] : memref<8x32xi32, #tpu.memory_space<vmem>> -> memref<1x32xi32, #tpu.memory_space<vmem>>
    %dma_wait3A_31 = tpu.memref_squeeze %dma_wait3A_30 : memref<1x32xi32, #tpu.memory_space<vmem>> -> memref<32xi32, #tpu.memory_space<vmem>>
    %dma_wait3A_32 = arith.constant 0 : i32
    %dma_wait3A_33 = arith.constant 0 : i32
    %dma_wait3A_34 = tpu.memref_slice %arg2[%dma_wait3A_32, %dma_wait3A_33] : memref<1000x1024xf32, #tpu.memory_space<hbm>> -> memref<1000x1024xf32, #tpu.memory_space<hbm>>
    tpu.wait_indirect_dma semaphore(%arg7 : memref<!tpu.dma_semaphore, #tpu.memory_space<semaphore_mem>>) src(%dma_wait3A_34 : memref<1000x1024xf32, #tpu.memory_space<hbm>>) dst(%dma_wait3A_28 : memref<32x1024xf32, #tpu.memory_space<vmem>>)
    %mul3A_35 = arith.constant 256 : i32
    %mul3A_36 = arith.muli %add3A, %mul3A_35 : i32
    %add3A_37 = arith.constant 0 : i32
    %add3A_38 = arith.addi %mul3A_36, %add3A_37 : i32
    %run_scoped3A = arith.constant 0 : i32
    "tpu.region"() ({
      %run_scoped3A_230 = tpu.sem_alloc : memref<!tpu.dma_semaphore, #tpu.memory_space<semaphore_mem>>
      %dma_start3A_231 = arith.constant 0 : i32
      %dma_start3A_232 = arith.constant 0 : i32
      %dma_start3A_233 = tpu.memref_slice %arg6[%run_scoped3A, %dma_start3A_231, %dma_start3A_232] : memref<2x32x1024xf32, #tpu.memory_space<vmem>> -> memref<1x32x1024xf32, #tpu.memory_space<vmem>>
      %dma_start3A_234 = tpu.memref_squeeze %dma_start3A_233 : memref<1x32x1024xf32, #tpu.memory_space<vmem>> -> memref<32x1024xf32, #tpu.memory_space<vmem>>
      %dma_start3A_235 = arith.constant 0 : i32
      %dma_start3A_236 = tpu.memref_slice %arg4[%add3A_38, %dma_start3A_235] : memref<8192x1024xf32, #tpu.memory_space<hbm>> -> memref<32x1024xf32, #tpu.memory_space<hbm>>
      %dma_start3A_237 = arith.constant 0 : i32
      %dma_start3A_238 = tpu.memref_slice %arg4[%add3A_38, %dma_start3A_237] : memref<8192x1024xf32, #tpu.memory_space<hbm>> -> memref<32x1024xf32, #tpu.memory_space<hbm>>
      %dma_start3A_239 = arith.constant 0 : i32
      %dma_start3A_240 = arith.constant 0 : i32
      %dma_start3A_241 = tpu.memref_slice %arg6[%run_scoped3A, %dma_start3A_239, %dma_start3A_240] : memref<2x32x1024xf32, #tpu.memory_space<vmem>> -> memref<1x32x1024xf32, #tpu.memory_space<vmem>>
      %dma_start3A_242 = tpu.memref_squeeze %dma_start3A_241 : memref<1x32x1024xf32, #tpu.memory_space<vmem>> -> memref<32x1024xf32, #tpu.memory_space<vmem>>
      tpu.enqueue_dma source(%dma_start3A_242 : memref<32x1024xf32, #tpu.memory_space<vmem>>) target(%dma_start3A_238 : memref<32x1024xf32, #tpu.memory_space<hbm>>) target_semaphore(%run_scoped3A_230 : memref<!tpu.dma_semaphore, #tpu.memory_space<semaphore_mem>>)
      %dma_wait3A_243 = arith.constant 0 : i32
      %dma_wait3A_244 = arith.constant 0 : i32
      %dma_wait3A_245 = tpu.memref_slice %arg6[%run_scoped3A, %dma_wait3A_243, %dma_wait3A_244] : memref<2x32x1024xf32, #tpu.memory_space<vmem>> -> memref<1x32x1024xf32, #tpu.memory_space<vmem>>
      %dma_wait3A_246 = tpu.memref_squeeze %dma_wait3A_245 : memref<1x32x1024xf32, #tpu.memory_space<vmem>> -> memref<32x1024xf32, #tpu.memory_space<vmem>>
      %dma_wait3A_247 = arith.constant 0 : i32
      %dma_wait3A_248 = tpu.memref_slice %arg4[%add3A_38, %dma_wait3A_247] : memref<8192x1024xf32, #tpu.memory_space<hbm>> -> memref<32x1024xf32, #tpu.memory_space<hbm>>
      %dma_wait3A_249 = arith.constant 0 : i32
      %dma_wait3A_250 = tpu.memref_slice %arg4[%add3A_38, %dma_wait3A_249] : memref<8192x1024xf32, #tpu.memory_space<hbm>> -> memref<32x1024xf32, #tpu.memory_space<hbm>>
      %dma_wait3A_251 = arith.constant 0 : i32
      %dma_wait3A_252 = arith.constant 0 : i32
      %dma_wait3A_253 = tpu.memref_slice %arg6[%run_scoped3A, %dma_wait3A_251, %dma_wait3A_252] : memref<2x32x1024xf32, #tpu.memory_space<vmem>> -> memref<1x32x1024xf32, #tpu.memory_space<vmem>>
      %dma_wait3A_254 = tpu.memref_squeeze %dma_wait3A_253 : memref<1x32x1024xf32, #tpu.memory_space<vmem>> -> memref<32x1024xf32, #tpu.memory_space<vmem>>
      tpu.wait_dma2 semaphore(%run_scoped3A_230 : memref<!tpu.dma_semaphore, #tpu.memory_space<semaphore_mem>>) src(%dma_wait3A_254 : memref<32x1024xf32, #tpu.memory_space<vmem>>) dst(%dma_wait3A_250 : memref<32x1024xf32, #tpu.memory_space<hbm>>)
      tpu.yield
    }) : () -> ()
    %dma_start3A_39 = arith.constant 2 : i32
    %dma_start3A_40 = arith.constant 0 : i32
    %dma_start3A_41 = arith.constant 0 : i32
    %dma_start3A_42 = arith.constant 0 : i32
    %dma_start3A_43 = tpu.memref_slice %arg6[%dma_start3A_40, %dma_start3A_41, %dma_start3A_42] : memref<2x32x1024xf32, #tpu.memory_space<vmem>> -> memref<1x32x1024xf32, #tpu.memory_space<vmem>>
    %dma_start3A_44 = tpu.memref_squeeze %dma_start3A_43 : memref<1x32x1024xf32, #tpu.memory_space<vmem>> -> memref<32x1024xf32, #tpu.memory_space<vmem>>
    %dma_start3A_45 = arith.constant 0 : i32
    %dma_start3A_46 = tpu.memref_slice %arg5[%dma_start3A_39, %dma_start3A_45] : memref<8x32xi32, #tpu.memory_space<vmem>> -> memref<1x32xi32, #tpu.memory_space<vmem>>
    %dma_start3A_47 = tpu.memref_squeeze %dma_start3A_46 : memref<1x32xi32, #tpu.memory_space<vmem>> -> memref<32xi32, #tpu.memory_space<vmem>>
    %dma_start3A_48 = arith.constant 0 : i32
    %dma_start3A_49 = arith.constant 0 : i32
    %dma_start3A_50 = tpu.memref_slice %arg2[%dma_start3A_48, %dma_start3A_49] : memref<1000x1024xf32, #tpu.memory_space<hbm>> -> memref<1000x1024xf32, #tpu.memory_space<hbm>>
    tpu.enqueue_indirect_dma source(%dma_start3A_50 : memref<1000x1024xf32, #tpu.memory_space<hbm>>) target(%dma_start3A_44 : memref<32x1024xf32, #tpu.memory_space<vmem>>) offsets(%dma_start3A_47 : memref<32xi32, #tpu.memory_space<vmem>>) semaphore(%arg7 : memref<!tpu.dma_semaphore, #tpu.memory_space<semaphore_mem>>)
    %dma_wait3A_51 = arith.constant 1 : i32
    %dma_wait3A_52 = arith.constant 1 : i32
    %dma_wait3A_53 = arith.constant 0 : i32
    %dma_wait3A_54 = arith.constant 0 : i32
    %dma_wait3A_55 = tpu.memref_slice %arg6[%dma_wait3A_52, %dma_wait3A_53, %dma_wait3A_54] : memref<2x32x1024xf32, #tpu.memory_space<vmem>> -> memref<1x32x1024xf32, #tpu.memory_space<vmem>>
    %dma_wait3A_56 = tpu.memref_squeeze %dma_wait3A_55 : memref<1x32x1024xf32, #tpu.memory_space<vmem>> -> memref<32x1024xf32, #tpu.memory_space<vmem>>
    %dma_wait3A_57 = arith.constant 0 : i32
    %dma_wait3A_58 = tpu.memref_slice %arg5[%dma_wait3A_51, %dma_wait3A_57] : memref<8x32xi32, #tpu.memory_space<vmem>> -> memref<1x32xi32, #tpu.memory_space<vmem>>
    %dma_wait3A_59 = tpu.memref_squeeze %dma_wait3A_58 : memref<1x32xi32, #tpu.memory_space<vmem>> -> memref<32xi32, #tpu.memory_space<vmem>>
    %dma_wait3A_60 = arith.constant 0 : i32
    %dma_wait3A_61 = arith.constant 0 : i32
    %dma_wait3A_62 = tpu.memref_slice %arg2[%dma_wait3A_60, %dma_wait3A_61] : memref<1000x1024xf32, #tpu.memory_space<hbm>> -> memref<1000x1024xf32, #tpu.memory_space<hbm>>
    tpu.wait_indirect_dma semaphore(%arg8 : memref<!tpu.dma_semaphore, #tpu.memory_space<semaphore_mem>>) src(%dma_wait3A_62 : memref<1000x1024xf32, #tpu.memory_space<hbm>>) dst(%dma_wait3A_56 : memref<32x1024xf32, #tpu.memory_space<vmem>>)
    %mul3A_63 = arith.constant 256 : i32
    %mul3A_64 = arith.muli %add3A, %mul3A_63 : i32
    %add3A_65 = arith.constant 32 : i32
    %add3A_66 = arith.addi %mul3A_64, %add3A_65 : i32
    %run_scoped3A_67 = arith.constant 1 : i32
    "tpu.region"() ({
      %run_scoped3A_230 = tpu.sem_alloc : memref<!tpu.dma_semaphore, #tpu.memory_space<semaphore_mem>>
      %dma_start3A_231 = arith.constant 0 : i32
      %dma_start3A_232 = arith.constant 0 : i32
      %dma_start3A_233 = tpu.memref_slice %arg6[%run_scoped3A_67, %dma_start3A_231, %dma_start3A_232] : memref<2x32x1024xf32, #tpu.memory_space<vmem>> -> memref<1x32x1024xf32, #tpu.memory_space<vmem>>
      %dma_start3A_234 = tpu.memref_squeeze %dma_start3A_233 : memref<1x32x1024xf32, #tpu.memory_space<vmem>> -> memref<32x1024xf32, #tpu.memory_space<vmem>>
      %dma_start3A_235 = arith.constant 0 : i32
      %dma_start3A_236 = tpu.memref_slice %arg4[%add3A_66, %dma_start3A_235] : memref<8192x1024xf32, #tpu.memory_space<hbm>> -> memref<32x1024xf32, #tpu.memory_space<hbm>>
      %dma_start3A_237 = arith.constant 0 : i32
      %dma_start3A_238 = tpu.memref_slice %arg4[%add3A_66, %dma_start3A_237] : memref<8192x1024xf32, #tpu.memory_space<hbm>> -> memref<32x1024xf32, #tpu.memory_space<hbm>>
      %dma_start3A_239 = arith.constant 0 : i32
      %dma_start3A_240 = arith.constant 0 : i32
      %dma_start3A_241 = tpu.memref_slice %arg6[%run_scoped3A_67, %dma_start3A_239, %dma_start3A_240] : memref<2x32x1024xf32, #tpu.memory_space<vmem>> -> memref<1x32x1024xf32, #tpu.memory_space<vmem>>
      %dma_start3A_242 = tpu.memref_squeeze %dma_start3A_241 : memref<1x32x1024xf32, #tpu.memory_space<vmem>> -> memref<32x1024xf32, #tpu.memory_space<vmem>>
      tpu.enqueue_dma source(%dma_start3A_242 : memref<32x1024xf32, #tpu.memory_space<vmem>>) target(%dma_start3A_238 : memref<32x1024xf32, #tpu.memory_space<hbm>>) target_semaphore(%run_scoped3A_230 : memref<!tpu.dma_semaphore, #tpu.memory_space<semaphore_mem>>)
      %dma_wait3A_243 = arith.constant 0 : i32
      %dma_wait3A_244 = arith.constant 0 : i32
      %dma_wait3A_245 = tpu.memref_slice %arg6[%run_scoped3A_67, %dma_wait3A_243, %dma_wait3A_244] : memref<2x32x1024xf32, #tpu.memory_space<vmem>> -> memref<1x32x1024xf32, #tpu.memory_space<vmem>>
      %dma_wait3A_246 = tpu.memref_squeeze %dma_wait3A_245 : memref<1x32x1024xf32, #tpu.memory_space<vmem>> -> memref<32x1024xf32, #tpu.memory_space<vmem>>
      %dma_wait3A_247 = arith.constant 0 : i32
      %dma_wait3A_248 = tpu.memref_slice %arg4[%add3A_66, %dma_wait3A_247] : memref<8192x1024xf32, #tpu.memory_space<hbm>> -> memref<32x1024xf32, #tpu.memory_space<hbm>>
      %dma_wait3A_249 = arith.constant 0 : i32
      %dma_wait3A_250 = tpu.memref_slice %arg4[%add3A_66, %dma_wait3A_249] : memref<8192x1024xf32, #tpu.memory_space<hbm>> -> memref<32x1024xf32, #tpu.memory_space<hbm>>
      %dma_wait3A_251 = arith.constant 0 : i32
      %dma_wait3A_252 = arith.constant 0 : i32
      %dma_wait3A_253 = tpu.memref_slice %arg6[%run_scoped3A_67, %dma_wait3A_251, %dma_wait3A_252] : memref<2x32x1024xf32, #tpu.memory_space<vmem>> -> memref<1x32x1024xf32, #tpu.memory_space<vmem>>
      %dma_wait3A_254 = tpu.memref_squeeze %dma_wait3A_253 : memref<1x32x1024xf32, #tpu.memory_space<vmem>> -> memref<32x1024xf32, #tpu.memory_space<vmem>>
      tpu.wait_dma2 semaphore(%run_scoped3A_230 : memref<!tpu.dma_semaphore, #tpu.memory_space<semaphore_mem>>) src(%dma_wait3A_254 : memref<32x1024xf32, #tpu.memory_space<vmem>>) dst(%dma_wait3A_250 : memref<32x1024xf32, #tpu.memory_space<hbm>>)
      tpu.yield
    }) : () -> ()
    %dma_start3A_68 = arith.constant 3 : i32
    %dma_start3A_69 = arith.constant 1 : i32
    %dma_start3A_70 = arith.constant 0 : i32
    %dma_start3A_71 = arith.constant 0 : i32
    %dma_start3A_72 = tpu.memref_slice %arg6[%dma_start3A_69, %dma_start3A_70, %dma_start3A_71] : memref<2x32x1024xf32, #tpu.memory_space<vmem>> -> memref<1x32x1024xf32, #tpu.memory_space<vmem>>
    %dma_start3A_73 = tpu.memref_squeeze %dma_start3A_72 : memref<1x32x1024xf32, #tpu.memory_space<vmem>> -> memref<32x1024xf32, #tpu.memory_space<vmem>>
    %dma_start3A_74 = arith.constant 0 : i32
    %dma_start3A_75 = tpu.memref_slice %arg5[%dma_start3A_68, %dma_start3A_74] : memref<8x32xi32, #tpu.memory_space<vmem>> -> memref<1x32xi32, #tpu.memory_space<vmem>>
    %dma_start3A_76 = tpu.memref_squeeze %dma_start3A_75 : memref<1x32xi32, #tpu.memory_space<vmem>> -> memref<32xi32, #tpu.memory_space<vmem>>
    %dma_start3A_77 = arith.constant 0 : i32
    %dma_start3A_78 = arith.constant 0 : i32
    %dma_start3A_79 = tpu.memref_slice %arg2[%dma_start3A_77, %dma_start3A_78] : memref<1000x1024xf32, #tpu.memory_space<hbm>> -> memref<1000x1024xf32, #tpu.memory_space<hbm>>
    tpu.enqueue_indirect_dma source(%dma_start3A_79 : memref<1000x1024xf32, #tpu.memory_space<hbm>>) target(%dma_start3A_73 : memref<32x1024xf32, #tpu.memory_space<vmem>>) offsets(%dma_start3A_76 : memref<32xi32, #tpu.memory_space<vmem>>) semaphore(%arg8 : memref<!tpu.dma_semaphore, #tpu.memory_space<semaphore_mem>>)
    %dma_wait3A_80 = arith.constant 2 : i32
    %dma_wait3A_81 = arith.constant 0 : i32
    %dma_wait3A_82 = arith.constant 0 : i32
    %dma_wait3A_83 = arith.constant 0 : i32
    %dma_wait3A_84 = tpu.memref_slice %arg6[%dma_wait3A_81, %dma_wait3A_82, %dma_wait3A_83] : memref<2x32x1024xf32, #tpu.memory_space<vmem>> -> memref<1x32x1024xf32, #tpu.memory_space<vmem>>
    %dma_wait3A_85 = tpu.memref_squeeze %dma_wait3A_84 : memref<1x32x1024xf32, #tpu.memory_space<vmem>> -> memref<32x1024xf32, #tpu.memory_space<vmem>>
    %dma_wait3A_86 = arith.constant 0 : i32
    %dma_wait3A_87 = tpu.memref_slice %arg5[%dma_wait3A_80, %dma_wait3A_86] : memref<8x32xi32, #tpu.memory_space<vmem>> -> memref<1x32xi32, #tpu.memory_space<vmem>>
    %dma_wait3A_88 = tpu.memref_squeeze %dma_wait3A_87 : memref<1x32xi32, #tpu.memory_space<vmem>> -> memref<32xi32, #tpu.memory_space<vmem>>
    %dma_wait3A_89 = arith.constant 0 : i32
    %dma_wait3A_90 = arith.constant 0 : i32
    %dma_wait3A_91 = tpu.memref_slice %arg2[%dma_wait3A_89, %dma_wait3A_90] : memref<1000x1024xf32, #tpu.memory_space<hbm>> -> memref<1000x1024xf32, #tpu.memory_space<hbm>>
    tpu.wait_indirect_dma semaphore(%arg7 : memref<!tpu.dma_semaphore, #tpu.memory_space<semaphore_mem>>) src(%dma_wait3A_91 : memref<1000x1024xf32, #tpu.memory_space<hbm>>) dst(%dma_wait3A_85 : memref<32x1024xf32, #tpu.memory_space<vmem>>)
    %mul3A_92 = arith.constant 256 : i32
    %mul3A_93 = arith.muli %add3A, %mul3A_92 : i32
    %add3A_94 = arith.constant 64 : i32
    %add3A_95 = arith.addi %mul3A_93, %add3A_94 : i32
    %run_scoped3A_96 = arith.constant 0 : i32
    "tpu.region"() ({
      %run_scoped3A_230 = tpu.sem_alloc : memref<!tpu.dma_semaphore, #tpu.memory_space<semaphore_mem>>
      %dma_start3A_231 = arith.constant 0 : i32
      %dma_start3A_232 = arith.constant 0 : i32
      %dma_start3A_233 = tpu.memref_slice %arg6[%run_scoped3A_96, %dma_start3A_231, %dma_start3A_232] : memref<2x32x1024xf32, #tpu.memory_space<vmem>> -> memref<1x32x1024xf32, #tpu.memory_space<vmem>>
      %dma_start3A_234 = tpu.memref_squeeze %dma_start3A_233 : memref<1x32x1024xf32, #tpu.memory_space<vmem>> -> memref<32x1024xf32, #tpu.memory_space<vmem>>
      %dma_start3A_235 = arith.constant 0 : i32
      %dma_start3A_236 = tpu.memref_slice %arg4[%add3A_95, %dma_start3A_235] : memref<8192x1024xf32, #tpu.memory_space<hbm>> -> memref<32x1024xf32, #tpu.memory_space<hbm>>
      %dma_start3A_237 = arith.constant 0 : i32
      %dma_start3A_238 = tpu.memref_slice %arg4[%add3A_95, %dma_start3A_237] : memref<8192x1024xf32, #tpu.memory_space<hbm>> -> memref<32x1024xf32, #tpu.memory_space<hbm>>
      %dma_start3A_239 = arith.constant 0 : i32
      %dma_start3A_240 = arith.constant 0 : i32
      %dma_start3A_241 = tpu.memref_slice %arg6[%run_scoped3A_96, %dma_start3A_239, %dma_start3A_240] : memref<2x32x1024xf32, #tpu.memory_space<vmem>> -> memref<1x32x1024xf32, #tpu.memory_space<vmem>>
      %dma_start3A_242 = tpu.memref_squeeze %dma_start3A_241 : memref<1x32x1024xf32, #tpu.memory_space<vmem>> -> memref<32x1024xf32, #tpu.memory_space<vmem>>
      tpu.enqueue_dma source(%dma_start3A_242 : memref<32x1024xf32, #tpu.memory_space<vmem>>) target(%dma_start3A_238 : memref<32x1024xf32, #tpu.memory_space<hbm>>) target_semaphore(%run_scoped3A_230 : memref<!tpu.dma_semaphore, #tpu.memory_space<semaphore_mem>>)
      %dma_wait3A_243 = arith.constant 0 : i32
      %dma_wait3A_244 = arith.constant 0 : i32
      %dma_wait3A_245 = tpu.memref_slice %arg6[%run_scoped3A_96, %dma_wait3A_243, %dma_wait3A_244] : memref<2x32x1024xf32, #tpu.memory_space<vmem>> -> memref<1x32x1024xf32, #tpu.memory_space<vmem>>
      %dma_wait3A_246 = tpu.memref_squeeze %dma_wait3A_245 : memref<1x32x1024xf32, #tpu.memory_space<vmem>> -> memref<32x1024xf32, #tpu.memory_space<vmem>>
      %dma_wait3A_247 = arith.constant 0 : i32
      %dma_wait3A_248 = tpu.memref_slice %arg4[%add3A_95, %dma_wait3A_247] : memref<8192x1024xf32, #tpu.memory_space<hbm>> -> memref<32x1024xf32, #tpu.memory_space<hbm>>
      %dma_wait3A_249 = arith.constant 0 : i32
      %dma_wait3A_250 = tpu.memref_slice %arg4[%add3A_95, %dma_wait3A_249] : memref<8192x1024xf32, #tpu.memory_space<hbm>> -> memref<32x1024xf32, #tpu.memory_space<hbm>>
      %dma_wait3A_251 = arith.constant 0 : i32
      %dma_wait3A_252 = arith.constant 0 : i32
      %dma_wait3A_253 = tpu.memref_slice %arg6[%run_scoped3A_96, %dma_wait3A_251, %dma_wait3A_252] : memref<2x32x1024xf32, #tpu.memory_space<vmem>> -> memref<1x32x1024xf32, #tpu.memory_space<vmem>>
      %dma_wait3A_254 = tpu.memref_squeeze %dma_wait3A_253 : memref<1x32x1024xf32, #tpu.memory_space<vmem>> -> memref<32x1024xf32, #tpu.memory_space<vmem>>
      tpu.wait_dma2 semaphore(%run_scoped3A_230 : memref<!tpu.dma_semaphore, #tpu.memory_space<semaphore_mem>>) src(%dma_wait3A_254 : memref<32x1024xf32, #tpu.memory_space<vmem>>) dst(%dma_wait3A_250 : memref<32x1024xf32, #tpu.memory_space<hbm>>)
      tpu.yield
    }) : () -> ()
    %dma_start3A_97 = arith.constant 4 : i32
    %dma_start3A_98 = arith.constant 0 : i32
    %dma_start3A_99 = arith.constant 0 : i32
    %dma_start3A_100 = arith.constant 0 : i32
    %dma_start3A_101 = tpu.memref_slice %arg6[%dma_start3A_98, %dma_start3A_99, %dma_start3A_100] : memref<2x32x1024xf32, #tpu.memory_space<vmem>> -> memref<1x32x1024xf32, #tpu.memory_space<vmem>>
    %dma_start3A_102 = tpu.memref_squeeze %dma_start3A_101 : memref<1x32x1024xf32, #tpu.memory_space<vmem>> -> memref<32x1024xf32, #tpu.memory_space<vmem>>
    %dma_start3A_103 = arith.constant 0 : i32
    %dma_start3A_104 = tpu.memref_slice %arg5[%dma_start3A_97, %dma_start3A_103] : memref<8x32xi32, #tpu.memory_space<vmem>> -> memref<1x32xi32, #tpu.memory_space<vmem>>
    %dma_start3A_105 = tpu.memref_squeeze %dma_start3A_104 : memref<1x32xi32, #tpu.memory_space<vmem>> -> memref<32xi32, #tpu.memory_space<vmem>>
    %dma_start3A_106 = arith.constant 0 : i32
    %dma_start3A_107 = arith.constant 0 : i32
    %dma_start3A_108 = tpu.memref_slice %arg2[%dma_start3A_106, %dma_start3A_107] : memref<1000x1024xf32, #tpu.memory_space<hbm>> -> memref<1000x1024xf32, #tpu.memory_space<hbm>>
    tpu.enqueue_indirect_dma source(%dma_start3A_108 : memref<1000x1024xf32, #tpu.memory_space<hbm>>) target(%dma_start3A_102 : memref<32x1024xf32, #tpu.memory_space<vmem>>) offsets(%dma_start3A_105 : memref<32xi32, #tpu.memory_space<vmem>>) semaphore(%arg7 : memref<!tpu.dma_semaphore, #tpu.memory_space<semaphore_mem>>)
    %dma_wait3A_109 = arith.constant 3 : i32
    %dma_wait3A_110 = arith.constant 1 : i32
    %dma_wait3A_111 = arith.constant 0 : i32
    %dma_wait3A_112 = arith.constant 0 : i32
    %dma_wait3A_113 = tpu.memref_slice %arg6[%dma_wait3A_110, %dma_wait3A_111, %dma_wait3A_112] : memref<2x32x1024xf32, #tpu.memory_space<vmem>> -> memref<1x32x1024xf32, #tpu.memory_space<vmem>>
    %dma_wait3A_114 = tpu.memref_squeeze %dma_wait3A_113 : memref<1x32x1024xf32, #tpu.memory_space<vmem>> -> memref<32x1024xf32, #tpu.memory_space<vmem>>
    %dma_wait3A_115 = arith.constant 0 : i32
    %dma_wait3A_116 = tpu.memref_slice %arg5[%dma_wait3A_109, %dma_wait3A_115] : memref<8x32xi32, #tpu.memory_space<vmem>> -> memref<1x32xi32, #tpu.memory_space<vmem>>
    %dma_wait3A_117 = tpu.memref_squeeze %dma_wait3A_116 : memref<1x32xi32, #tpu.memory_space<vmem>> -> memref<32xi32, #tpu.memory_space<vmem>>
    %dma_wait3A_118 = arith.constant 0 : i32
    %dma_wait3A_119 = arith.constant 0 : i32
    %dma_wait3A_120 = tpu.memref_slice %arg2[%dma_wait3A_118, %dma_wait3A_119] : memref<1000x1024xf32, #tpu.memory_space<hbm>> -> memref<1000x1024xf32, #tpu.memory_space<hbm>>
    tpu.wait_indirect_dma semaphore(%arg8 : memref<!tpu.dma_semaphore, #tpu.memory_space<semaphore_mem>>) src(%dma_wait3A_120 : memref<1000x1024xf32, #tpu.memory_space<hbm>>) dst(%dma_wait3A_114 : memref<32x1024xf32, #tpu.memory_space<vmem>>)
    %mul3A_121 = arith.constant 256 : i32
    %mul3A_122 = arith.muli %add3A, %mul3A_121 : i32
    %add3A_123 = arith.constant 96 : i32
    %add3A_124 = arith.addi %mul3A_122, %add3A_123 : i32
    %run_scoped3A_125 = arith.constant 1 : i32
    "tpu.region"() ({
      %run_scoped3A_230 = tpu.sem_alloc : memref<!tpu.dma_semaphore, #tpu.memory_space<semaphore_mem>>
      %dma_start3A_231 = arith.constant 0 : i32
      %dma_start3A_232 = arith.constant 0 : i32
      %dma_start3A_233 = tpu.memref_slice %arg6[%run_scoped3A_125, %dma_start3A_231, %dma_start3A_232] : memref<2x32x1024xf32, #tpu.memory_space<vmem>> -> memref<1x32x1024xf32, #tpu.memory_space<vmem>>
      %dma_start3A_234 = tpu.memref_squeeze %dma_start3A_233 : memref<1x32x1024xf32, #tpu.memory_space<vmem>> -> memref<32x1024xf32, #tpu.memory_space<vmem>>
      %dma_start3A_235 = arith.constant 0 : i32
      %dma_start3A_236 = tpu.memref_slice %arg4[%add3A_124, %dma_start3A_235] : memref<8192x1024xf32, #tpu.memory_space<hbm>> -> memref<32x1024xf32, #tpu.memory_space<hbm>>
      %dma_start3A_237 = arith.constant 0 : i32
      %dma_start3A_238 = tpu.memref_slice %arg4[%add3A_124, %dma_start3A_237] : memref<8192x1024xf32, #tpu.memory_space<hbm>> -> memref<32x1024xf32, #tpu.memory_space<hbm>>
      %dma_start3A_239 = arith.constant 0 : i32
      %dma_start3A_240 = arith.constant 0 : i32
      %dma_start3A_241 = tpu.memref_slice %arg6[%run_scoped3A_125, %dma_start3A_239, %dma_start3A_240] : memref<2x32x1024xf32, #tpu.memory_space<vmem>> -> memref<1x32x1024xf32, #tpu.memory_space<vmem>>
      %dma_start3A_242 = tpu.memref_squeeze %dma_start3A_241 : memref<1x32x1024xf32, #tpu.memory_space<vmem>> -> memref<32x1024xf32, #tpu.memory_space<vmem>>
      tpu.enqueue_dma source(%dma_start3A_242 : memref<32x1024xf32, #tpu.memory_space<vmem>>) target(%dma_start3A_238 : memref<32x1024xf32, #tpu.memory_space<hbm>>) target_semaphore(%run_scoped3A_230 : memref<!tpu.dma_semaphore, #tpu.memory_space<semaphore_mem>>)
      %dma_wait3A_243 = arith.constant 0 : i32
      %dma_wait3A_244 = arith.constant 0 : i32
      %dma_wait3A_245 = tpu.memref_slice %arg6[%run_scoped3A_125, %dma_wait3A_243, %dma_wait3A_244] : memref<2x32x1024xf32, #tpu.memory_space<vmem>> -> memref<1x32x1024xf32, #tpu.memory_space<vmem>>
      %dma_wait3A_246 = tpu.memref_squeeze %dma_wait3A_245 : memref<1x32x1024xf32, #tpu.memory_space<vmem>> -> memref<32x1024xf32, #tpu.memory_space<vmem>>
      %dma_wait3A_247 = arith.constant 0 : i32
      %dma_wait3A_248 = tpu.memref_slice %arg4[%add3A_124, %dma_wait3A_247] : memref<8192x1024xf32, #tpu.memory_space<hbm>> -> memref<32x1024xf32, #tpu.memory_space<hbm>>
      %dma_wait3A_249 = arith.constant 0 : i32
      %dma_wait3A_250 = tpu.memref_slice %arg4[%add3A_124, %dma_wait3A_249] : memref<8192x1024xf32, #tpu.memory_space<hbm>> -> memref<32x1024xf32, #tpu.memory_space<hbm>>
      %dma_wait3A_251 = arith.constant 0 : i32
      %dma_wait3A_252 = arith.constant 0 : i32
      %dma_wait3A_253 = tpu.memref_slice %arg6[%run_scoped3A_125, %dma_wait3A_251, %dma_wait3A_252] : memref<2x32x1024xf32, #tpu.memory_space<vmem>> -> memref<1x32x1024xf32, #tpu.memory_space<vmem>>
      %dma_wait3A_254 = tpu.memref_squeeze %dma_wait3A_253 : memref<1x32x1024xf32, #tpu.memory_space<vmem>> -> memref<32x1024xf32, #tpu.memory_space<vmem>>
      tpu.wait_dma2 semaphore(%run_scoped3A_230 : memref<!tpu.dma_semaphore, #tpu.memory_space<semaphore_mem>>) src(%dma_wait3A_254 : memref<32x1024xf32, #tpu.memory_space<vmem>>) dst(%dma_wait3A_250 : memref<32x1024xf32, #tpu.memory_space<hbm>>)
      tpu.yield
    }) : () -> ()
    %dma_start3A_126 = arith.constant 5 : i32
    %dma_start3A_127 = arith.constant 1 : i32
    %dma_start3A_128 = arith.constant 0 : i32
    %dma_start3A_129 = arith.constant 0 : i32
    %dma_start3A_130 = tpu.memref_slice %arg6[%dma_start3A_127, %dma_start3A_128, %dma_start3A_129] : memref<2x32x1024xf32, #tpu.memory_space<vmem>> -> memref<1x32x1024xf32, #tpu.memory_space<vmem>>
    %dma_start3A_131 = tpu.memref_squeeze %dma_start3A_130 : memref<1x32x1024xf32, #tpu.memory_space<vmem>> -> memref<32x1024xf32, #tpu.memory_space<vmem>>
    %dma_start3A_132 = arith.constant 0 : i32
    %dma_start3A_133 = tpu.memref_slice %arg5[%dma_start3A_126, %dma_start3A_132] : memref<8x32xi32, #tpu.memory_space<vmem>> -> memref<1x32xi32, #tpu.memory_space<vmem>>
    %dma_start3A_134 = tpu.memref_squeeze %dma_start3A_133 : memref<1x32xi32, #tpu.memory_space<vmem>> -> memref<32xi32, #tpu.memory_space<vmem>>
    %dma_start3A_135 = arith.constant 0 : i32
    %dma_start3A_136 = arith.constant 0 : i32
    %dma_start3A_137 = tpu.memref_slice %arg2[%dma_start3A_135, %dma_start3A_136] : memref<1000x1024xf32, #tpu.memory_space<hbm>> -> memref<1000x1024xf32, #tpu.memory_space<hbm>>
    tpu.enqueue_indirect_dma source(%dma_start3A_137 : memref<1000x1024xf32, #tpu.memory_space<hbm>>) target(%dma_start3A_131 : memref<32x1024xf32, #tpu.memory_space<vmem>>) offsets(%dma_start3A_134 : memref<32xi32, #tpu.memory_space<vmem>>) semaphore(%arg8 : memref<!tpu.dma_semaphore, #tpu.memory_space<semaphore_mem>>)
    %dma_wait3A_138 = arith.constant 4 : i32
    %dma_wait3A_139 = arith.constant 0 : i32
    %dma_wait3A_140 = arith.constant 0 : i32
    %dma_wait3A_141 = arith.constant 0 : i32
    %dma_wait3A_142 = tpu.memref_slice %arg6[%dma_wait3A_139, %dma_wait3A_140, %dma_wait3A_141] : memref<2x32x1024xf32, #tpu.memory_space<vmem>> -> memref<1x32x1024xf32, #tpu.memory_space<vmem>>
    %dma_wait3A_143 = tpu.memref_squeeze %dma_wait3A_142 : memref<1x32x1024xf32, #tpu.memory_space<vmem>> -> memref<32x1024xf32, #tpu.memory_space<vmem>>
    %dma_wait3A_144 = arith.constant 0 : i32
    %dma_wait3A_145 = tpu.memref_slice %arg5[%dma_wait3A_138, %dma_wait3A_144] : memref<8x32xi32, #tpu.memory_space<vmem>> -> memref<1x32xi32, #tpu.memory_space<vmem>>
    %dma_wait3A_146 = tpu.memref_squeeze %dma_wait3A_145 : memref<1x32xi32, #tpu.memory_space<vmem>> -> memref<32xi32, #tpu.memory_space<vmem>>
    %dma_wait3A_147 = arith.constant 0 : i32
    %dma_wait3A_148 = arith.constant 0 : i32
    %dma_wait3A_149 = tpu.memref_slice %arg2[%dma_wait3A_147, %dma_wait3A_148] : memref<1000x1024xf32, #tpu.memory_space<hbm>> -> memref<1000x1024xf32, #tpu.memory_space<hbm>>
    tpu.wait_indirect_dma semaphore(%arg7 : memref<!tpu.dma_semaphore, #tpu.memory_space<semaphore_mem>>) src(%dma_wait3A_149 : memref<1000x1024xf32, #tpu.memory_space<hbm>>) dst(%dma_wait3A_143 : memref<32x1024xf32, #tpu.memory_space<vmem>>)
    %mul3A_150 = arith.constant 256 : i32
    %mul3A_151 = arith.muli %add3A, %mul3A_150 : i32
    %add3A_152 = arith.constant 128 : i32
    %add3A_153 = arith.addi %mul3A_151, %add3A_152 : i32
    %run_scoped3A_154 = arith.constant 0 : i32
    "tpu.region"() ({
      %run_scoped3A_230 = tpu.sem_alloc : memref<!tpu.dma_semaphore, #tpu.memory_space<semaphore_mem>>
      %dma_start3A_231 = arith.constant 0 : i32
      %dma_start3A_232 = arith.constant 0 : i32
      %dma_start3A_233 = tpu.memref_slice %arg6[%run_scoped3A_154, %dma_start3A_231, %dma_start3A_232] : memref<2x32x1024xf32, #tpu.memory_space<vmem>> -> memref<1x32x1024xf32, #tpu.memory_space<vmem>>
      %dma_start3A_234 = tpu.memref_squeeze %dma_start3A_233 : memref<1x32x1024xf32, #tpu.memory_space<vmem>> -> memref<32x1024xf32, #tpu.memory_space<vmem>>
      %dma_start3A_235 = arith.constant 0 : i32
      %dma_start3A_236 = tpu.memref_slice %arg4[%add3A_153, %dma_start3A_235] : memref<8192x1024xf32, #tpu.memory_space<hbm>> -> memref<32x1024xf32, #tpu.memory_space<hbm>>
      %dma_start3A_237 = arith.constant 0 : i32
      %dma_start3A_238 = tpu.memref_slice %arg4[%add3A_153, %dma_start3A_237] : memref<8192x1024xf32, #tpu.memory_space<hbm>> -> memref<32x1024xf32, #tpu.memory_space<hbm>>
      %dma_start3A_239 = arith.constant 0 : i32
      %dma_start3A_240 = arith.constant 0 : i32
      %dma_start3A_241 = tpu.memref_slice %arg6[%run_scoped3A_154, %dma_start3A_239, %dma_start3A_240] : memref<2x32x1024xf32, #tpu.memory_space<vmem>> -> memref<1x32x1024xf32, #tpu.memory_space<vmem>>
      %dma_start3A_242 = tpu.memref_squeeze %dma_start3A_241 : memref<1x32x1024xf32, #tpu.memory_space<vmem>> -> memref<32x1024xf32, #tpu.memory_space<vmem>>
      tpu.enqueue_dma source(%dma_start3A_242 : memref<32x1024xf32, #tpu.memory_space<vmem>>) target(%dma_start3A_238 : memref<32x1024xf32, #tpu.memory_space<hbm>>) target_semaphore(%run_scoped3A_230 : memref<!tpu.dma_semaphore, #tpu.memory_space<semaphore_mem>>)
      %dma_wait3A_243 = arith.constant 0 : i32
      %dma_wait3A_244 = arith.constant 0 : i32
      %dma_wait3A_245 = tpu.memref_slice %arg6[%run_scoped3A_154, %dma_wait3A_243, %dma_wait3A_244] : memref<2x32x1024xf32, #tpu.memory_space<vmem>> -> memref<1x32x1024xf32, #tpu.memory_space<vmem>>
      %dma_wait3A_246 = tpu.memref_squeeze %dma_wait3A_245 : memref<1x32x1024xf32, #tpu.memory_space<vmem>> -> memref<32x1024xf32, #tpu.memory_space<vmem>>
      %dma_wait3A_247 = arith.constant 0 : i32
      %dma_wait3A_248 = tpu.memref_slice %arg4[%add3A_153, %dma_wait3A_247] : memref<8192x1024xf32, #tpu.memory_space<hbm>> -> memref<32x1024xf32, #tpu.memory_space<hbm>>
      %dma_wait3A_249 = arith.constant 0 : i32
      %dma_wait3A_250 = tpu.memref_slice %arg4[%add3A_153, %dma_wait3A_249] : memref<8192x1024xf32, #tpu.memory_space<hbm>> -> memref<32x1024xf32, #tpu.memory_space<hbm>>
      %dma_wait3A_251 = arith.constant 0 : i32
      %dma_wait3A_252 = arith.constant 0 : i32
      %dma_wait3A_253 = tpu.memref_slice %arg6[%run_scoped3A_154, %dma_wait3A_251, %dma_wait3A_252] : memref<2x32x1024xf32, #tpu.memory_space<vmem>> -> memref<1x32x1024xf32, #tpu.memory_space<vmem>>
      %dma_wait3A_254 = tpu.memref_squeeze %dma_wait3A_253 : memref<1x32x1024xf32, #tpu.memory_space<vmem>> -> memref<32x1024xf32, #tpu.memory_space<vmem>>
      tpu.wait_dma2 semaphore(%run_scoped3A_230 : memref<!tpu.dma_semaphore, #tpu.memory_space<semaphore_mem>>) src(%dma_wait3A_254 : memref<32x1024xf32, #tpu.memory_space<vmem>>) dst(%dma_wait3A_250 : memref<32x1024xf32, #tpu.memory_space<hbm>>)
      tpu.yield
    }) : () -> ()
    %dma_start3A_155 = arith.constant 6 : i32
    %dma_start3A_156 = arith.constant 0 : i32
    %dma_start3A_157 = arith.constant 0 : i32
    %dma_start3A_158 = arith.constant 0 : i32
    %dma_start3A_159 = tpu.memref_slice %arg6[%dma_start3A_156, %dma_start3A_157, %dma_start3A_158] : memref<2x32x1024xf32, #tpu.memory_space<vmem>> -> memref<1x32x1024xf32, #tpu.memory_space<vmem>>
    %dma_start3A_160 = tpu.memref_squeeze %dma_start3A_159 : memref<1x32x1024xf32, #tpu.memory_space<vmem>> -> memref<32x1024xf32, #tpu.memory_space<vmem>>
    %dma_start3A_161 = arith.constant 0 : i32
    %dma_start3A_162 = tpu.memref_slice %arg5[%dma_start3A_155, %dma_start3A_161] : memref<8x32xi32, #tpu.memory_space<vmem>> -> memref<1x32xi32, #tpu.memory_space<vmem>>
    %dma_start3A_163 = tpu.memref_squeeze %dma_start3A_162 : memref<1x32xi32, #tpu.memory_space<vmem>> -> memref<32xi32, #tpu.memory_space<vmem>>
    %dma_start3A_164 = arith.constant 0 : i32
    %dma_start3A_165 = arith.constant 0 : i32
    %dma_start3A_166 = tpu.memref_slice %arg2[%dma_start3A_164, %dma_start3A_165] : memref<1000x1024xf32, #tpu.memory_space<hbm>> -> memref<1000x1024xf32, #tpu.memory_space<hbm>>
    tpu.enqueue_indirect_dma source(%dma_start3A_166 : memref<1000x1024xf32, #tpu.memory_space<hbm>>) target(%dma_start3A_160 : memref<32x1024xf32, #tpu.memory_space<vmem>>) offsets(%dma_start3A_163 : memref<32xi32, #tpu.memory_space<vmem>>) semaphore(%arg7 : memref<!tpu.dma_semaphore, #tpu.memory_space<semaphore_mem>>)
    %dma_wait3A_167 = arith.constant 5 : i32
    %dma_wait3A_168 = arith.constant 1 : i32
    %dma_wait3A_169 = arith.constant 0 : i32
    %dma_wait3A_170 = arith.constant 0 : i32
    %dma_wait3A_171 = tpu.memref_slice %arg6[%dma_wait3A_168, %dma_wait3A_169, %dma_wait3A_170] : memref<2x32x1024xf32, #tpu.memory_space<vmem>> -> memref<1x32x1024xf32, #tpu.memory_space<vmem>>
    %dma_wait3A_172 = tpu.memref_squeeze %dma_wait3A_171 : memref<1x32x1024xf32, #tpu.memory_space<vmem>> -> memref<32x1024xf32, #tpu.memory_space<vmem>>
    %dma_wait3A_173 = arith.constant 0 : i32
    %dma_wait3A_174 = tpu.memref_slice %arg5[%dma_wait3A_167, %dma_wait3A_173] : memref<8x32xi32, #tpu.memory_space<vmem>> -> memref<1x32xi32, #tpu.memory_space<vmem>>
    %dma_wait3A_175 = tpu.memref_squeeze %dma_wait3A_174 : memref<1x32xi32, #tpu.memory_space<vmem>> -> memref<32xi32, #tpu.memory_space<vmem>>
    %dma_wait3A_176 = arith.constant 0 : i32
    %dma_wait3A_177 = arith.constant 0 : i32
    %dma_wait3A_178 = tpu.memref_slice %arg2[%dma_wait3A_176, %dma_wait3A_177] : memref<1000x1024xf32, #tpu.memory_space<hbm>> -> memref<1000x1024xf32, #tpu.memory_space<hbm>>
    tpu.wait_indirect_dma semaphore(%arg8 : memref<!tpu.dma_semaphore, #tpu.memory_space<semaphore_mem>>) src(%dma_wait3A_178 : memref<1000x1024xf32, #tpu.memory_space<hbm>>) dst(%dma_wait3A_172 : memref<32x1024xf32, #tpu.memory_space<vmem>>)
    %mul3A_179 = arith.constant 256 : i32
    %mul3A_180 = arith.muli %add3A, %mul3A_179 : i32
    %add3A_181 = arith.constant 160 : i32
    %add3A_182 = arith.addi %mul3A_180, %add3A_181 : i32
    %run_scoped3A_183 = arith.constant 1 : i32
    "tpu.region"() ({
      %run_scoped3A_230 = tpu.sem_alloc : memref<!tpu.dma_semaphore, #tpu.memory_space<semaphore_mem>>
      %dma_start3A_231 = arith.constant 0 : i32
      %dma_start3A_232 = arith.constant 0 : i32
      %dma_start3A_233 = tpu.memref_slice %arg6[%run_scoped3A_183, %dma_start3A_231, %dma_start3A_232] : memref<2x32x1024xf32, #tpu.memory_space<vmem>> -> memref<1x32x1024xf32, #tpu.memory_space<vmem>>
      %dma_start3A_234 = tpu.memref_squeeze %dma_start3A_233 : memref<1x32x1024xf32, #tpu.memory_space<vmem>> -> memref<32x1024xf32, #tpu.memory_space<vmem>>
      %dma_start3A_235 = arith.constant 0 : i32
      %dma_start3A_236 = tpu.memref_slice %arg4[%add3A_182, %dma_start3A_235] : memref<8192x1024xf32, #tpu.memory_space<hbm>> -> memref<32x1024xf32, #tpu.memory_space<hbm>>
      %dma_start3A_237 = arith.constant 0 : i32
      %dma_start3A_238 = tpu.memref_slice %arg4[%add3A_182, %dma_start3A_237] : memref<8192x1024xf32, #tpu.memory_space<hbm>> -> memref<32x1024xf32, #tpu.memory_space<hbm>>
      %dma_start3A_239 = arith.constant 0 : i32
      %dma_start3A_240 = arith.constant 0 : i32
      %dma_start3A_241 = tpu.memref_slice %arg6[%run_scoped3A_183, %dma_start3A_239, %dma_start3A_240] : memref<2x32x1024xf32, #tpu.memory_space<vmem>> -> memref<1x32x1024xf32, #tpu.memory_space<vmem>>
      %dma_start3A_242 = tpu.memref_squeeze %dma_start3A_241 : memref<1x32x1024xf32, #tpu.memory_space<vmem>> -> memref<32x1024xf32, #tpu.memory_space<vmem>>
      tpu.enqueue_dma source(%dma_start3A_242 : memref<32x1024xf32, #tpu.memory_space<vmem>>) target(%dma_start3A_238 : memref<32x1024xf32, #tpu.memory_space<hbm>>) target_semaphore(%run_scoped3A_230 : memref<!tpu.dma_semaphore, #tpu.memory_space<semaphore_mem>>)
      %dma_wait3A_243 = arith.constant 0 : i32
      %dma_wait3A_244 = arith.constant 0 : i32
      %dma_wait3A_245 = tpu.memref_slice %arg6[%run_scoped3A_183, %dma_wait3A_243, %dma_wait3A_244] : memref<2x32x1024xf32, #tpu.memory_space<vmem>> -> memref<1x32x1024xf32, #tpu.memory_space<vmem>>
      %dma_wait3A_246 = tpu.memref_squeeze %dma_wait3A_245 : memref<1x32x1024xf32, #tpu.memory_space<vmem>> -> memref<32x1024xf32, #tpu.memory_space<vmem>>
      %dma_wait3A_247 = arith.constant 0 : i32
      %dma_wait3A_248 = tpu.memref_slice %arg4[%add3A_182, %dma_wait3A_247] : memref<8192x1024xf32, #tpu.memory_space<hbm>> -> memref<32x1024xf32, #tpu.memory_space<hbm>>
      %dma_wait3A_249 = arith.constant 0 : i32
      %dma_wait3A_250 = tpu.memref_slice %arg4[%add3A_182, %dma_wait3A_249] : memref<8192x1024xf32, #tpu.memory_space<hbm>> -> memref<32x1024xf32, #tpu.memory_space<hbm>>
      %dma_wait3A_251 = arith.constant 0 : i32
      %dma_wait3A_252 = arith.constant 0 : i32
      %dma_wait3A_253 = tpu.memref_slice %arg6[%run_scoped3A_183, %dma_wait3A_251, %dma_wait3A_252] : memref<2x32x1024xf32, #tpu.memory_space<vmem>> -> memref<1x32x1024xf32, #tpu.memory_space<vmem>>
      %dma_wait3A_254 = tpu.memref_squeeze %dma_wait3A_253 : memref<1x32x1024xf32, #tpu.memory_space<vmem>> -> memref<32x1024xf32, #tpu.memory_space<vmem>>
      tpu.wait_dma2 semaphore(%run_scoped3A_230 : memref<!tpu.dma_semaphore, #tpu.memory_space<semaphore_mem>>) src(%dma_wait3A_254 : memref<32x1024xf32, #tpu.memory_space<vmem>>) dst(%dma_wait3A_250 : memref<32x1024xf32, #tpu.memory_space<hbm>>)
      tpu.yield
    }) : () -> ()
    %dma_start3A_184 = arith.constant 7 : i32
    %dma_start3A_185 = arith.constant 1 : i32
    %dma_start3A_186 = arith.constant 0 : i32
    %dma_start3A_187 = arith.constant 0 : i32
    %dma_start3A_188 = tpu.memref_slice %arg6[%dma_start3A_185, %dma_start3A_186, %dma_start3A_187] : memref<2x32x1024xf32, #tpu.memory_space<vmem>> -> memref<1x32x1024xf32, #tpu.memory_space<vmem>>
    %dma_start3A_189 = tpu.memref_squeeze %dma_start3A_188 : memref<1x32x1024xf32, #tpu.memory_space<vmem>> -> memref<32x1024xf32, #tpu.memory_space<vmem>>
    %dma_start3A_190 = arith.constant 0 : i32
    %dma_start3A_191 = tpu.memref_slice %arg5[%dma_start3A_184, %dma_start3A_190] : memref<8x32xi32, #tpu.memory_space<vmem>> -> memref<1x32xi32, #tpu.memory_space<vmem>>
    %dma_start3A_192 = tpu.memref_squeeze %dma_start3A_191 : memref<1x32xi32, #tpu.memory_space<vmem>> -> memref<32xi32, #tpu.memory_space<vmem>>
    %dma_start3A_193 = arith.constant 0 : i32
    %dma_start3A_194 = arith.constant 0 : i32
    %dma_start3A_195 = tpu.memref_slice %arg2[%dma_start3A_193, %dma_start3A_194] : memref<1000x1024xf32, #tpu.memory_space<hbm>> -> memref<1000x1024xf32, #tpu.memory_space<hbm>>
    tpu.enqueue_indirect_dma source(%dma_start3A_195 : memref<1000x1024xf32, #tpu.memory_space<hbm>>) target(%dma_start3A_189 : memref<32x1024xf32, #tpu.memory_space<vmem>>) offsets(%dma_start3A_192 : memref<32xi32, #tpu.memory_space<vmem>>) semaphore(%arg8 : memref<!tpu.dma_semaphore, #tpu.memory_space<semaphore_mem>>)
    %dma_wait3A_196 = arith.constant 6 : i32
    %dma_wait3A_197 = arith.constant 0 : i32
    %dma_wait3A_198 = arith.constant 0 : i32
    %dma_wait3A_199 = arith.constant 0 : i32
    %dma_wait3A_200 = tpu.memref_slice %arg6[%dma_wait3A_197, %dma_wait3A_198, %dma_wait3A_199] : memref<2x32x1024xf32, #tpu.memory_space<vmem>> -> memref<1x32x1024xf32, #tpu.memory_space<vmem>>
    %dma_wait3A_201 = tpu.memref_squeeze %dma_wait3A_200 : memref<1x32x1024xf32, #tpu.memory_space<vmem>> -> memref<32x1024xf32, #tpu.memory_space<vmem>>
    %dma_wait3A_202 = arith.constant 0 : i32
    %dma_wait3A_203 = tpu.memref_slice %arg5[%dma_wait3A_196, %dma_wait3A_202] : memref<8x32xi32, #tpu.memory_space<vmem>> -> memref<1x32xi32, #tpu.memory_space<vmem>>
    %dma_wait3A_204 = tpu.memref_squeeze %dma_wait3A_203 : memref<1x32xi32, #tpu.memory_space<vmem>> -> memref<32xi32, #tpu.memory_space<vmem>>
    %dma_wait3A_205 = arith.constant 0 : i32
    %dma_wait3A_206 = arith.constant 0 : i32
    %dma_wait3A_207 = tpu.memref_slice %arg2[%dma_wait3A_205, %dma_wait3A_206] : memref<1000x1024xf32, #tpu.memory_space<hbm>> -> memref<1000x1024xf32, #tpu.memory_space<hbm>>
    tpu.wait_indirect_dma semaphore(%arg7 : memref<!tpu.dma_semaphore, #tpu.memory_space<semaphore_mem>>) src(%dma_wait3A_207 : memref<1000x1024xf32, #tpu.memory_space<hbm>>) dst(%dma_wait3A_201 : memref<32x1024xf32, #tpu.memory_space<vmem>>)
    %mul3A_208 = arith.constant 256 : i32
    %mul3A_209 = arith.muli %add3A, %mul3A_208 : i32
    %add3A_210 = arith.constant 192 : i32
    %add3A_211 = arith.addi %mul3A_209, %add3A_210 : i32
    %run_scoped3A_212 = arith.constant 0 : i32
    "tpu.region"() ({
      %run_scoped3A_230 = tpu.sem_alloc : memref<!tpu.dma_semaphore, #tpu.memory_space<semaphore_mem>>
      %dma_start3A_231 = arith.constant 0 : i32
      %dma_start3A_232 = arith.constant 0 : i32
      %dma_start3A_233 = tpu.memref_slice %arg6[%run_scoped3A_212, %dma_start3A_231, %dma_start3A_232] : memref<2x32x1024xf32, #tpu.memory_space<vmem>> -> memref<1x32x1024xf32, #tpu.memory_space<vmem>>
      %dma_start3A_234 = tpu.memref_squeeze %dma_start3A_233 : memref<1x32x1024xf32, #tpu.memory_space<vmem>> -> memref<32x1024xf32, #tpu.memory_space<vmem>>
      %dma_start3A_235 = arith.constant 0 : i32
      %dma_start3A_236 = tpu.memref_slice %arg4[%add3A_211, %dma_start3A_235] : memref<8192x1024xf32, #tpu.memory_space<hbm>> -> memref<32x1024xf32, #tpu.memory_space<hbm>>
      %dma_start3A_237 = arith.constant 0 : i32
      %dma_start3A_238 = tpu.memref_slice %arg4[%add3A_211, %dma_start3A_237] : memref<8192x1024xf32, #tpu.memory_space<hbm>> -> memref<32x1024xf32, #tpu.memory_space<hbm>>
      %dma_start3A_239 = arith.constant 0 : i32
      %dma_start3A_240 = arith.constant 0 : i32
      %dma_start3A_241 = tpu.memref_slice %arg6[%run_scoped3A_212, %dma_start3A_239, %dma_start3A_240] : memref<2x32x1024xf32, #tpu.memory_space<vmem>> -> memref<1x32x1024xf32, #tpu.memory_space<vmem>>
      %dma_start3A_242 = tpu.memref_squeeze %dma_start3A_241 : memref<1x32x1024xf32, #tpu.memory_space<vmem>> -> memref<32x1024xf32, #tpu.memory_space<vmem>>
      tpu.enqueue_dma source(%dma_start3A_242 : memref<32x1024xf32, #tpu.memory_space<vmem>>) target(%dma_start3A_238 : memref<32x1024xf32, #tpu.memory_space<hbm>>) target_semaphore(%run_scoped3A_230 : memref<!tpu.dma_semaphore, #tpu.memory_space<semaphore_mem>>)
      %dma_wait3A_243 = arith.constant 0 : i32
      %dma_wait3A_244 = arith.constant 0 : i32
      %dma_wait3A_245 = tpu.memref_slice %arg6[%run_scoped3A_212, %dma_wait3A_243, %dma_wait3A_244] : memref<2x32x1024xf32, #tpu.memory_space<vmem>> -> memref<1x32x1024xf32, #tpu.memory_space<vmem>>
      %dma_wait3A_246 = tpu.memref_squeeze %dma_wait3A_245 : memref<1x32x1024xf32, #tpu.memory_space<vmem>> -> memref<32x1024xf32, #tpu.memory_space<vmem>>
      %dma_wait3A_247 = arith.constant 0 : i32
      %dma_wait3A_248 = tpu.memref_slice %arg4[%add3A_211, %dma_wait3A_247] : memref<8192x1024xf32, #tpu.memory_space<hbm>> -> memref<32x1024xf32, #tpu.memory_space<hbm>>
      %dma_wait3A_249 = arith.constant 0 : i32
      %dma_wait3A_250 = tpu.memref_slice %arg4[%add3A_211, %dma_wait3A_249] : memref<8192x1024xf32, #tpu.memory_space<hbm>> -> memref<32x1024xf32, #tpu.memory_space<hbm>>
      %dma_wait3A_251 = arith.constant 0 : i32
      %dma_wait3A_252 = arith.constant 0 : i32
      %dma_wait3A_253 = tpu.memref_slice %arg6[%run_scoped3A_212, %dma_wait3A_251, %dma_wait3A_252] : memref<2x32x1024xf32, #tpu.memory_space<vmem>> -> memref<1x32x1024xf32, #tpu.memory_space<vmem>>
      %dma_wait3A_254 = tpu.memref_squeeze %dma_wait3A_253 : memref<1x32x1024xf32, #tpu.memory_space<vmem>> -> memref<32x1024xf32, #tpu.memory_space<vmem>>
      tpu.wait_dma2 semaphore(%run_scoped3A_230 : memref<!tpu.dma_semaphore, #tpu.memory_space<semaphore_mem>>) src(%dma_wait3A_254 : memref<32x1024xf32, #tpu.memory_space<vmem>>) dst(%dma_wait3A_250 : memref<32x1024xf32, #tpu.memory_space<hbm>>)
      tpu.yield
    }) : () -> ()
    %dma_wait3A_213 = arith.constant 7 : i32
    %dma_wait3A_214 = arith.constant 1 : i32
    %dma_wait3A_215 = arith.constant 0 : i32
    %dma_wait3A_216 = arith.constant 0 : i32
    %dma_wait3A_217 = tpu.memref_slice %arg6[%dma_wait3A_214, %dma_wait3A_215, %dma_wait3A_216] : memref<2x32x1024xf32, #tpu.memory_space<vmem>> -> memref<1x32x1024xf32, #tpu.memory_space<vmem>>
    %dma_wait3A_218 = tpu.memref_squeeze %dma_wait3A_217 : memref<1x32x1024xf32, #tpu.memory_space<vmem>> -> memref<32x1024xf32, #tpu.memory_space<vmem>>
    %dma_wait3A_219 = arith.constant 0 : i32
    %dma_wait3A_220 = tpu.memref_slice %arg5[%dma_wait3A_213, %dma_wait3A_219] : memref<8x32xi32, #tpu.memory_space<vmem>> -> memref<1x32xi32, #tpu.memory_space<vmem>>
    %dma_wait3A_221 = tpu.memref_squeeze %dma_wait3A_220 : memref<1x32xi32, #tpu.memory_space<vmem>> -> memref<32xi32, #tpu.memory_space<vmem>>
    %dma_wait3A_222 = arith.constant 0 : i32
    %dma_wait3A_223 = arith.constant 0 : i32
    %dma_wait3A_224 = tpu.memref_slice %arg2[%dma_wait3A_222, %dma_wait3A_223] : memref<1000x1024xf32, #tpu.memory_space<hbm>> -> memref<1000x1024xf32, #tpu.memory_space<hbm>>
    tpu.wait_indirect_dma semaphore(%arg8 : memref<!tpu.dma_semaphore, #tpu.memory_space<semaphore_mem>>) src(%dma_wait3A_224 : memref<1000x1024xf32, #tpu.memory_space<hbm>>) dst(%dma_wait3A_218 : memref<32x1024xf32, #tpu.memory_space<vmem>>)
    %mul3A_225 = arith.constant 256 : i32
    %mul3A_226 = arith.muli %add3A, %mul3A_225 : i32
    %add3A_227 = arith.constant 224 : i32
    %add3A_228 = arith.addi %mul3A_226, %add3A_227 : i32
    %run_scoped3A_229 = arith.constant 1 : i32
    "tpu.region"() ({
      %run_scoped3A_230 = tpu.sem_alloc : memref<!tpu.dma_semaphore, #tpu.memory_space<semaphore_mem>>
      %dma_start3A_231 = arith.constant 0 : i32
      %dma_start3A_232 = arith.constant 0 : i32
      %dma_start3A_233 = tpu.memref_slice %arg6[%run_scoped3A_229, %dma_start3A_231, %dma_start3A_232] : memref<2x32x1024xf32, #tpu.memory_space<vmem>> -> memref<1x32x1024xf32, #tpu.memory_space<vmem>>
      %dma_start3A_234 = tpu.memref_squeeze %dma_start3A_233 : memref<1x32x1024xf32, #tpu.memory_space<vmem>> -> memref<32x1024xf32, #tpu.memory_space<vmem>>
      %dma_start3A_235 = arith.constant 0 : i32
      %dma_start3A_236 = tpu.memref_slice %arg4[%add3A_228, %dma_start3A_235] : memref<8192x1024xf32, #tpu.memory_space<hbm>> -> memref<32x1024xf32, #tpu.memory_space<hbm>>
      %dma_start3A_237 = arith.constant 0 : i32
      %dma_start3A_238 = tpu.memref_slice %arg4[%add3A_228, %dma_start3A_237] : memref<8192x1024xf32, #tpu.memory_space<hbm>> -> memref<32x1024xf32, #tpu.memory_space<hbm>>
      %dma_start3A_239 = arith.constant 0 : i32
      %dma_start3A_240 = arith.constant 0 : i32
      %dma_start3A_241 = tpu.memref_slice %arg6[%run_scoped3A_229, %dma_start3A_239, %dma_start3A_240] : memref<2x32x1024xf32, #tpu.memory_space<vmem>> -> memref<1x32x1024xf32, #tpu.memory_space<vmem>>
      %dma_start3A_242 = tpu.memref_squeeze %dma_start3A_241 : memref<1x32x1024xf32, #tpu.memory_space<vmem>> -> memref<32x1024xf32, #tpu.memory_space<vmem>>
      tpu.enqueue_dma source(%dma_start3A_242 : memref<32x1024xf32, #tpu.memory_space<vmem>>) target(%dma_start3A_238 : memref<32x1024xf32, #tpu.memory_space<hbm>>) target_semaphore(%run_scoped3A_230 : memref<!tpu.dma_semaphore, #tpu.memory_space<semaphore_mem>>)
      %dma_wait3A_243 = arith.constant 0 : i32
      %dma_wait3A_244 = arith.constant 0 : i32
      %dma_wait3A_245 = tpu.memref_slice %arg6[%run_scoped3A_229, %dma_wait3A_243, %dma_wait3A_244] : memref<2x32x1024xf32, #tpu.memory_space<vmem>> -> memref<1x32x1024xf32, #tpu.memory_space<vmem>>
      %dma_wait3A_246 = tpu.memref_squeeze %dma_wait3A_245 : memref<1x32x1024xf32, #tpu.memory_space<vmem>> -> memref<32x1024xf32, #tpu.memory_space<vmem>>
      %dma_wait3A_247 = arith.constant 0 : i32
      %dma_wait3A_248 = tpu.memref_slice %arg4[%add3A_228, %dma_wait3A_247] : memref<8192x1024xf32, #tpu.memory_space<hbm>> -> memref<32x1024xf32, #tpu.memory_space<hbm>>
      %dma_wait3A_249 = arith.constant 0 : i32
      %dma_wait3A_250 = tpu.memref_slice %arg4[%add3A_228, %dma_wait3A_249] : memref<8192x1024xf32, #tpu.memory_space<hbm>> -> memref<32x1024xf32, #tpu.memory_space<hbm>>
      %dma_wait3A_251 = arith.constant 0 : i32
      %dma_wait3A_252 = arith.constant 0 : i32
      %dma_wait3A_253 = tpu.memref_slice %arg6[%run_scoped3A_229, %dma_wait3A_251, %dma_wait3A_252] : memref<2x32x1024xf32, #tpu.memory_space<vmem>> -> memref<1x32x1024xf32, #tpu.memory_space<vmem>>
      %dma_wait3A_254 = tpu.memref_squeeze %dma_wait3A_253 : memref<1x32x1024xf32, #tpu.memory_space<vmem>> -> memref<32x1024xf32, #tpu.memory_space<vmem>>
      tpu.wait_dma2 semaphore(%run_scoped3A_230 : memref<!tpu.dma_semaphore, #tpu.memory_space<semaphore_mem>>) src(%dma_wait3A_254 : memref<32x1024xf32, #tpu.memory_space<vmem>>) dst(%dma_wait3A_250 : memref<32x1024xf32, #tpu.memory_space<hbm>>)
      tpu.yield
    }) : () -> ()
    return
  }
}

module attributes {stable_mosaic.version = 14 : i64} {
  func.func @_tc_body(%arg0: i32, %arg1: memref<1x1x512xi32, #tpu.memory_space<vmem>>, %arg2: memref<1x512x1024xf32, #tpu.memory_space<vmem>>, %arg3: memref<1x512x256xf32, #tpu.memory_space<vmem>>, %arg4: memref<1x512x256xf32, #tpu.memory_space<vmem>>, %arg5: memref<256x256xbf16, #tpu.memory_space<vmem>>, %arg6: memref<256x256xbf16, #tpu.memory_space<vmem>>, %arg7: memref<1x256xf32, #tpu.memory_space<vmem>>, %arg8: memref<256x256xbf16, #tpu.memory_space<vmem>>, %arg9: memref<256x256xbf16, #tpu.memory_space<vmem>>, %arg10: memref<1x256xf32, #tpu.memory_space<vmem>>, %arg11: memref<1x1x256xf32, #tpu.memory_space<vmem>>) attributes {dimension_semantics = [#tpu.dimension_semantics<arbitrary>], iteration_bounds = array<i64: 16>, scalar_prefetch = 0 : i64, scratch_operands = 0 : i64, tpu.core_type = #tpu.core_type<tc>, window_params = [{transform_indices = @transform_0, window_bounds = array<i64: 1, 1, 512>}, {transform_indices = @transform_1, window_bounds = array<i64: 1, 512, 1024>}, {transform_indices = @transform_2, window_bounds = array<i64: 1, 512, 256>}, {transform_indices = @transform_3, window_bounds = array<i64: 1, 512, 256>}, {pipeline_mode = #tpu.pipeline_mode<synchronous>, transform_indices = @transform_4, window_bounds = array<i64: 256, 256>}, {pipeline_mode = #tpu.pipeline_mode<synchronous>, transform_indices = @transform_5, window_bounds = array<i64: 256, 256>}, {pipeline_mode = #tpu.pipeline_mode<synchronous>, transform_indices = @transform_6, window_bounds = array<i64: 1, 256>}, {pipeline_mode = #tpu.pipeline_mode<synchronous>, transform_indices = @transform_7, window_bounds = array<i64: 256, 256>}, {pipeline_mode = #tpu.pipeline_mode<synchronous>, transform_indices = @transform_8, window_bounds = array<i64: 256, 256>}, {pipeline_mode = #tpu.pipeline_mode<synchronous>, transform_indices = @transform_9, window_bounds = array<i64: 1, 256>}, {transform_indices = @transform_10, window_bounds = array<i64: 1, 1, 256>}]} {
    %get3A = arith.constant 0 : index
    %get3A_0 = arith.constant 0 : index
    %get3A_1 = arith.constant 0 : index
    %get3A_2 = vector.load %arg1[%get3A, %get3A_0, %get3A_1] : memref<1x1x512xi32, #tpu.memory_space<vmem>>, vector<1x1x512xi32>
    %get3A_3 = vector.shape_cast %get3A_2 : vector<1x1x512xi32> to vector<512xi32>
    %get3A_4 = arith.constant 0 : index
    %get3A_5 = arith.constant 0 : index
    %get3A_6 = arith.constant 0 : index
    %get3A_7 = vector.load %arg2[%get3A_4, %get3A_5, %get3A_6] : memref<1x512x1024xf32, #tpu.memory_space<vmem>>, vector<1x512x1024xf32>
    %get3A_8 = vector.shape_cast %get3A_7 : vector<1x512x1024xf32> to vector<512x1024xf32>
    %convert_element_type3A = arith.truncf %get3A_8 : vector<512x1024xf32> to vector<512x1024xbf16>
    %get3A_9 = arith.constant 0 : index
    %get3A_10 = arith.constant 0 : index
    %get3A_11 = arith.constant 0 : index
    %get3A_12 = vector.load %arg3[%get3A_9, %get3A_10, %get3A_11] : memref<1x512x256xf32, #tpu.memory_space<vmem>>, vector<1x512x256xf32>
    %get3A_13 = vector.shape_cast %get3A_12 : vector<1x512x256xf32> to vector<512x256xf32>
    %get3A_14 = arith.constant 0 : index
    %get3A_15 = arith.constant 0 : index
    %get3A_16 = arith.constant 0 : index
    %get3A_17 = vector.load %arg4[%get3A_14, %get3A_15, %get3A_16] : memref<1x512x256xf32, #tpu.memory_space<vmem>>, vector<1x512x256xf32>
    %get3A_18 = vector.shape_cast %get3A_17 : vector<1x512x256xf32> to vector<512x256xf32>
    %iota3A = tpu.iota {dimensions = array<i32: 0>} : vector<1024x512xi32>
    %broadcast_in_dim3A = vector.shape_cast %get3A_3 : vector<512xi32> to vector<1x512xi32>
    %eq3A = vector.broadcast %broadcast_in_dim3A : vector<1x512xi32> to vector<1024x512xi32>
    %eq3A_19 = arith.cmpi eq, %iota3A, %eq3A : vector<1024x512xi32>
    %convert_element_type3A_20 = arith.extui %eq3A_19 : vector<1024x512xi1> to vector<1024x512xi32>
    %convert_element_type3A_21 = arith.sitofp %convert_element_type3A_20 : vector<1024x512xi32> to vector<1024x512xf32>
    %convert_element_type3A_22 = arith.truncf %convert_element_type3A_21 : vector<1024x512xf32> to vector<1024x512xbf16>
    %dot_general3A = arith.constant dense<0.000000e+00> : vector<512x512xf32>
    %dot_general3A_23 = tpu.matmul %convert_element_type3A, %convert_element_type3A_22, %dot_general3A {dimension_numbers = #tpu.dot_dimension_numbers<[1], [0], [0], [1], [0, 0, 1, 1], [], []>, transpose_lhs_hint = false} : vector<512x1024xbf16>, vector<1024x512xbf16>, vector<512x512xf32> -> vector<512x512xf32>
    %convert_element_type3A_24 = arith.truncf %dot_general3A_23 : vector<512x512xf32> to vector<512x512xbf16>
    %iota3A_25 = tpu.iota {dimensions = array<i32: 0>} : vector<512x512xi32>
    %iota3A_26 = tpu.iota {dimensions = array<i32: 1>} : vector<512x512xi32>
    %eq3A_27 = arith.cmpi eq, %iota3A_25, %iota3A_26 : vector<512x512xi32>
    %jit3A = arith.constant 0.000000e+00 : f32
    %broadcast_in_dim3A_28 = vector.broadcast %jit3A : f32 to vector<512x512xf32>
    %select_n3A = arith.select %eq3A_27, %dot_general3A_23, %broadcast_in_dim3A_28 : vector<512x512xi1>, vector<512x512xf32>
    %reduce_sum3A = arith.constant dense<0.000000e+00> : vector<512xf32>
    %reduce_sum3A_29 = vector.multi_reduction <add>, %select_n3A, %reduce_sum3A [0] : vector<512x512xf32> to vector<512xf32>
    %reduce_sum3A_30 = vector.shape_cast %reduce_sum3A_29 : vector<512xf32> to vector<1x512xf32>
    %reduce_sum3A_31 = arith.constant dense<0.000000e+00> : vector<1xf32>
    %reduce_sum3A_32 = vector.multi_reduction <add>, %reduce_sum3A_30, %reduce_sum3A_31 [1] : vector<1x512xf32> to vector<1xf32>
    %reduce_sum3A_33 = vector.shape_cast %reduce_sum3A_32 : vector<1xf32> to vector<1x1xf32>
    %reduce_sum3A_34 = vector.extract %reduce_sum3A_33[0, 0] : f32 from vector<1x1xf32>
    %reduce_sum3A_35 = arith.constant dense<0.000000e+00> : vector<512xf32>
    %reduce_sum3A_36 = vector.multi_reduction <add>, %dot_general3A_23, %reduce_sum3A_35 [1] : vector<512x512xf32> to vector<512xf32>
    %add3A = vector.broadcast %reduce_sum3A_34 : f32 to vector<512xf32>
    %add3A_37 = arith.addf %reduce_sum3A_36, %add3A : vector<512xf32>
    %add3A_38 = arith.constant 9.99999993E-9 : f32
    %add3A_39 = vector.broadcast %add3A_38 : f32 to vector<512xf32>
    %add3A_40 = arith.addf %add3A_37, %add3A_39 : vector<512xf32>
    %div3A = arith.constant 1.000000e+00 : f32
    %div3A_41 = vector.broadcast %div3A : f32 to vector<512xf32>
    %div3A_42 = arith.divf %div3A_41, %add3A_40 : vector<512xf32>
    %broadcast_in_dim3A_43 = vector.shape_cast %div3A_42 : vector<512xf32> to vector<512x1xf32>
    %convert_element_type3A_44 = arith.truncf %get3A_18 : vector<512x256xf32> to vector<512x256xbf16>
    %broadcast_in_dim3A_45 = vector.shape_cast %reduce_sum3A_29 : vector<512xf32> to vector<512x1xf32>
    %mul3A = vector.broadcast %broadcast_in_dim3A_45 : vector<512x1xf32> to vector<512x256xf32>
    %mul3A_46 = arith.mulf %mul3A, %get3A_13 : vector<512x256xf32>
    %reduce_sum3A_47 = arith.constant dense<0.000000e+00> : vector<256xf32>
    %reduce_sum3A_48 = vector.multi_reduction <add>, %mul3A_46, %reduce_sum3A_47 [0] : vector<512x256xf32> to vector<256xf32>
    %convert_element_type3A_49 = arith.truncf %get3A_13 : vector<512x256xf32> to vector<512x256xbf16>
    %dot_general3A_50 = arith.constant dense<0.000000e+00> : vector<512x256xf32>
    %dot_general3A_51 = tpu.matmul %convert_element_type3A_24, %convert_element_type3A_49, %dot_general3A_50 {dimension_numbers = #tpu.dot_dimension_numbers<[1], [0], [0], [1], [0, 0, 1, 1], [], []>, transpose_lhs_hint = false} : vector<512x512xbf16>, vector<512x256xbf16>, vector<512x256xf32> -> vector<512x256xf32>
    %broadcast_in_dim3A_52 = vector.shape_cast %reduce_sum3A_48 : vector<256xf32> to vector<1x256xf32>
    %add3A_53 = vector.broadcast %broadcast_in_dim3A_52 : vector<1x256xf32> to vector<512x256xf32>
    %add3A_54 = arith.addf %dot_general3A_51, %add3A_53 : vector<512x256xf32>
    %mul3A_55 = vector.broadcast %broadcast_in_dim3A_43 : vector<512x1xf32> to vector<512x256xf32>
    %mul3A_56 = arith.mulf %add3A_54, %mul3A_55 : vector<512x256xf32>
    %convert_element_type3A_57 = arith.truncf %mul3A_56 : vector<512x256xf32> to vector<512x256xbf16>
    %get3A_58 = arith.constant 0 : index
    %get3A_59 = arith.constant 0 : index
    %get3A_60 = vector.load %arg5[%get3A_58, %get3A_59] : memref<256x256xbf16, #tpu.memory_space<vmem>>, vector<256x256xbf16>
    %dot_general3A_61 = arith.constant dense<0.000000e+00> : vector<512x256xf32>
    %dot_general3A_62 = tpu.matmul %convert_element_type3A_57, %get3A_60, %dot_general3A_61 {dimension_numbers = #tpu.dot_dimension_numbers<[1], [0], [0], [1], [0, 0, 1, 1], [], []>, transpose_lhs_hint = false} : vector<512x256xbf16>, vector<256x256xbf16>, vector<512x256xf32> -> vector<512x256xf32>
    %get3A_63 = arith.constant 0 : index
    %get3A_64 = arith.constant 0 : index
    %get3A_65 = vector.load %arg6[%get3A_63, %get3A_64] : memref<256x256xbf16, #tpu.memory_space<vmem>>, vector<256x256xbf16>
    %dot_general3A_66 = arith.constant dense<0.000000e+00> : vector<512x256xf32>
    %dot_general3A_67 = tpu.matmul %convert_element_type3A_44, %get3A_65, %dot_general3A_66 {dimension_numbers = #tpu.dot_dimension_numbers<[1], [0], [0], [1], [0, 0, 1, 1], [], []>, transpose_lhs_hint = false} : vector<512x256xbf16>, vector<256x256xbf16>, vector<512x256xf32> -> vector<512x256xf32>
    %get3A_68 = arith.constant 0 : index
    %get3A_69 = arith.constant 0 : index
    %get3A_70 = vector.load %arg7[%get3A_68, %get3A_69] : memref<1x256xf32, #tpu.memory_space<vmem>>, vector<1x256xf32>
    %get3A_71 = vector.shape_cast %get3A_70 : vector<1x256xf32> to vector<256xf32>
    %broadcast_in_dim3A_72 = vector.shape_cast %get3A_71 : vector<256xf32> to vector<1x256xf32>
    %add3A_73 = vector.broadcast %broadcast_in_dim3A_72 : vector<1x256xf32> to vector<512x256xf32>
    %add3A_74 = arith.addf %dot_general3A_67, %add3A_73 : vector<512x256xf32>
    %add3A_75 = arith.addf %dot_general3A_62, %add3A_74 : vector<512x256xf32>
    %max3A = arith.constant 0.000000e+00 : f32
    %max3A_76 = vector.broadcast %max3A : f32 to vector<512x256xf32>
    %max3A_77 = arith.maximumf %add3A_75, %max3A_76 : vector<512x256xf32>
    %add3A_78 = arith.addf %max3A_77, %get3A_13 : vector<512x256xf32>
    %broadcast_in_dim3A_79 = vector.shape_cast %reduce_sum3A_29 : vector<512xf32> to vector<512x1xf32>
    %mul3A_80 = vector.broadcast %broadcast_in_dim3A_79 : vector<512x1xf32> to vector<512x256xf32>
    %mul3A_81 = arith.mulf %mul3A_80, %add3A_78 : vector<512x256xf32>
    %reduce_sum3A_82 = arith.constant dense<0.000000e+00> : vector<256xf32>
    %reduce_sum3A_83 = vector.multi_reduction <add>, %mul3A_81, %reduce_sum3A_82 [0] : vector<512x256xf32> to vector<256xf32>
    %convert_element_type3A_84 = arith.truncf %add3A_78 : vector<512x256xf32> to vector<512x256xbf16>
    %dot_general3A_85 = arith.constant dense<0.000000e+00> : vector<512x256xf32>
    %dot_general3A_86 = tpu.matmul %convert_element_type3A_24, %convert_element_type3A_84, %dot_general3A_85 {dimension_numbers = #tpu.dot_dimension_numbers<[1], [0], [0], [1], [0, 0, 1, 1], [], []>, transpose_lhs_hint = false} : vector<512x512xbf16>, vector<512x256xbf16>, vector<512x256xf32> -> vector<512x256xf32>
    %broadcast_in_dim3A_87 = vector.shape_cast %reduce_sum3A_83 : vector<256xf32> to vector<1x256xf32>
    %add3A_88 = vector.broadcast %broadcast_in_dim3A_87 : vector<1x256xf32> to vector<512x256xf32>
    %add3A_89 = arith.addf %dot_general3A_86, %add3A_88 : vector<512x256xf32>
    %mul3A_90 = vector.broadcast %broadcast_in_dim3A_43 : vector<512x1xf32> to vector<512x256xf32>
    %mul3A_91 = arith.mulf %add3A_89, %mul3A_90 : vector<512x256xf32>
    %convert_element_type3A_92 = arith.truncf %mul3A_91 : vector<512x256xf32> to vector<512x256xbf16>
    %get3A_93 = arith.constant 0 : index
    %get3A_94 = arith.constant 0 : index
    %get3A_95 = vector.load %arg8[%get3A_93, %get3A_94] : memref<256x256xbf16, #tpu.memory_space<vmem>>, vector<256x256xbf16>
    %dot_general3A_96 = arith.constant dense<0.000000e+00> : vector<512x256xf32>
    %dot_general3A_97 = tpu.matmul %convert_element_type3A_92, %get3A_95, %dot_general3A_96 {dimension_numbers = #tpu.dot_dimension_numbers<[1], [0], [0], [1], [0, 0, 1, 1], [], []>, transpose_lhs_hint = false} : vector<512x256xbf16>, vector<256x256xbf16>, vector<512x256xf32> -> vector<512x256xf32>
    %get3A_98 = arith.constant 0 : index
    %get3A_99 = arith.constant 0 : index
    %get3A_100 = vector.load %arg9[%get3A_98, %get3A_99] : memref<256x256xbf16, #tpu.memory_space<vmem>>, vector<256x256xbf16>
    %dot_general3A_101 = arith.constant dense<0.000000e+00> : vector<512x256xf32>
    %dot_general3A_102 = tpu.matmul %convert_element_type3A_44, %get3A_100, %dot_general3A_101 {dimension_numbers = #tpu.dot_dimension_numbers<[1], [0], [0], [1], [0, 0, 1, 1], [], []>, transpose_lhs_hint = false} : vector<512x256xbf16>, vector<256x256xbf16>, vector<512x256xf32> -> vector<512x256xf32>
    %get3A_103 = arith.constant 0 : index
    %get3A_104 = arith.constant 0 : index
    %get3A_105 = vector.load %arg10[%get3A_103, %get3A_104] : memref<1x256xf32, #tpu.memory_space<vmem>>, vector<1x256xf32>
    %get3A_106 = vector.shape_cast %get3A_105 : vector<1x256xf32> to vector<256xf32>
    %broadcast_in_dim3A_107 = vector.shape_cast %get3A_106 : vector<256xf32> to vector<1x256xf32>
    %add3A_108 = vector.broadcast %broadcast_in_dim3A_107 : vector<1x256xf32> to vector<512x256xf32>
    %add3A_109 = arith.addf %dot_general3A_102, %add3A_108 : vector<512x256xf32>
    %add3A_110 = arith.addf %dot_general3A_97, %add3A_109 : vector<512x256xf32>
    %max3A_111 = arith.constant 0.000000e+00 : f32
    %max3A_112 = vector.broadcast %max3A_111 : f32 to vector<512x256xf32>
    %max3A_113 = arith.maximumf %add3A_110, %max3A_112 : vector<512x256xf32>
    %add3A_114 = arith.addf %max3A_113, %add3A_78 : vector<512x256xf32>
    %reduce_sum3A_115 = arith.constant dense<0.000000e+00> : vector<256xf32>
    %reduce_sum3A_116 = vector.multi_reduction <add>, %add3A_114, %reduce_sum3A_115 [0] : vector<512x256xf32> to vector<256xf32>
    %div3A_117 = arith.constant 5.120000e+02 : f32
    %div3A_118 = vector.broadcast %div3A_117 : f32 to vector<256xf32>
    %div3A_119 = arith.divf %reduce_sum3A_116, %div3A_118 : vector<256xf32>
    %swap3A = arith.constant 0 : index
    %swap3A_120 = arith.constant 0 : index
    %swap3A_121 = arith.constant 0 : index
    %swap3A_122 = vector.load %arg11[%swap3A, %swap3A_120, %swap3A_121] : memref<1x1x256xf32, #tpu.memory_space<vmem>>, vector<1x1x256xf32>
    %swap3A_123 = vector.shape_cast %swap3A_122 : vector<1x1x256xf32> to vector<256xf32>
    %swap3A_124 = vector.shape_cast %div3A_119 : vector<256xf32> to vector<1x1x256xf32>
    tpu.vector_store %arg11[%swap3A, %swap3A_120, %swap3A_121], %swap3A_124 {strides = array<i32>} : memref<1x1x256xf32, #tpu.memory_space<vmem>>, vector<1x1x256xf32>,
    return
  }
  func.func @transform_0(%arg0: i32) -> (i32, i32, i32) {
    %c0_i32 = arith.constant 0 : i32
    %c0_i32_0 = arith.constant 0 : i32
    %c0_i32_1 = arith.constant 0 : i32
    return %arg0, %c0_i32, %c0_i32_0 : i32, i32, i32
  }
  func.func @transform_1(%arg0: i32) -> (i32, i32, i32) {
    %c0_i32 = arith.constant 0 : i32
    %c0_i32_0 = arith.constant 0 : i32
    %c0_i32_1 = arith.constant 0 : i32
    return %arg0, %c0_i32, %c0_i32_0 : i32, i32, i32
  }
  func.func @transform_2(%arg0: i32) -> (i32, i32, i32) {
    %c0_i32 = arith.constant 0 : i32
    %c0_i32_0 = arith.constant 0 : i32
    %c0_i32_1 = arith.constant 0 : i32
    return %arg0, %c0_i32, %c0_i32_0 : i32, i32, i32
  }
  func.func @transform_3(%arg0: i32) -> (i32, i32, i32) {
    %c0_i32 = arith.constant 0 : i32
    %c0_i32_0 = arith.constant 0 : i32
    %c0_i32_1 = arith.constant 0 : i32
    return %arg0, %c0_i32, %c0_i32_0 : i32, i32, i32
  }
  func.func @transform_4(%arg0: i32) -> (i32, i32) {
    %c0_i32 = arith.constant 0 : i32
    %c0_i32_0 = arith.constant 0 : i32
    %c0_i32_1 = arith.constant 0 : i32
    return %c0_i32, %c0_i32_0 : i32, i32
  }
  func.func @transform_5(%arg0: i32) -> (i32, i32) {
    %c0_i32 = arith.constant 0 : i32
    %c0_i32_0 = arith.constant 0 : i32
    %c0_i32_1 = arith.constant 0 : i32
    return %c0_i32, %c0_i32_0 : i32, i32
  }
  func.func @transform_6(%arg0: i32) -> (i32, i32) {
    %c0_i32 = arith.constant 0 : i32
    %c0_i32_0 = arith.constant 0 : i32
    %c0_i32_1 = arith.constant 0 : i32
    return %c0_i32, %c0_i32_0 : i32, i32
  }
  func.func @transform_7(%arg0: i32) -> (i32, i32) {
    %c0_i32 = arith.constant 0 : i32
    %c0_i32_0 = arith.constant 0 : i32
    %c0_i32_1 = arith.constant 0 : i32
    return %c0_i32, %c0_i32_0 : i32, i32
  }
  func.func @transform_8(%arg0: i32) -> (i32, i32) {
    %c0_i32 = arith.constant 0 : i32
    %c0_i32_0 = arith.constant 0 : i32
    %c0_i32_1 = arith.constant 0 : i32
    return %c0_i32, %c0_i32_0 : i32, i32
  }
  func.func @transform_9(%arg0: i32) -> (i32, i32) {
    %c0_i32 = arith.constant 0 : i32
    %c0_i32_0 = arith.constant 0 : i32
    %c0_i32_1 = arith.constant 0 : i32
    return %c0_i32, %c0_i32_0 : i32, i32
  }
  func.func @transform_10(%arg0: i32) -> (i32, i32, i32) {
    %c0_i32 = arith.constant 0 : i32
    %c0_i32_0 = arith.constant 0 : i32
    %c0_i32_1 = arith.constant 0 : i32
    return %arg0, %c0_i32, %c0_i32_0 : i32, i32, i32
  }
}

</mosaic_0001>

<sc_bundles>
// kernel: kernel.4.cloned.1.call-start
scs
__scs_entry_jumppad:
0x0: {  	(pc) =	sbr.rel $0x88, $3  }
0x1: {  	(tag) =	ssettag $0x0;
	lr =	simm.s32 $0x1  }
0x2: {  	[smem:$0x3F97] =	sst lr;
	_ =	strace $0xD0000000  }
0x3: {  	_ = 	snop  }
0x4: {  	_ = 	snop  }
0x5: {  	_ = 	snop  }
0x6: {  	_ = 	snop  }
0x7: {  	_ = 	snop  }
__scs_overlays_trampoline_lowered:
0x8: {  	[smem:$0x3FA6] =	sst s0  }
0x9: {  	[smem:$0x3FA7] =	sst s1  }
0xa: {  	[smem:$0x3FA8] =	sst s2  }
0xb: {  	[smem:$0x3FA9] =	sst s3  }
0xc: {  	[smem:$0x3FAA] =	sst s4  }
0xd: {  	[smem:$0x3FAB] =	sst s5  }
0xe: {  	[smem:$0x3FAC] =	sst s6  }
0xf: {  	[smem:$0x3FAD] =	sst s7  }
0x10: {  	[smem:$0x3FAE] =	sst s8  }
0x11: {  	[smem:$0x3FAF] =	sst s9;
	s0 =	simm.s32 @!p0 $0x0  }
0x12: {  	s1 =	sld [smem:$0x3F95];
	s0 =	simm.s32 @p0 $0x1  }
0x13: {  	[smem:$0x3FB0] =	sst s0;
	s0 =	simm.s32 @!p1 $0x0  }
0x14: {  	s2 =	sld [smem:$0x3F94];
	s0 =	simm.s32 @p1 $0x1  }
0x15: {  	[smem:$0x3FB1] =	sst s0;
	s0 =	simm.s32 @!p2 $0x0  }
0x16: {  	s3 =	sld [smem:$0x3FDB];
	s0 =	simm.s32 @p2 $0x1  }
0x17: {  	s4 =	simm.s32 $0x1BF5;
	[smem:$0x3FB3] =	sst s0  }
0x18: {  	s0 =	sld [smem:$0x3F96];
	_ =	swait.ge [sflag:s4], $0x0  }
0x19: {  	s7 =	sld [smem:$0x3F97]  }
0x1a: {  	s8 =	sadd.s32 $0xFFFFE003, lr  }
0x1b: {  	s9 =	sadd.s32 $0xFFFFFEF7, lr;
	s5 =	simm.s32 $0xFFFFFFFF;
	p2 =	slt.u32 s8, $0xFFFFF086  }
0x1c: {  	p1 =	slt.u32 s9, $0xF7A;
	s5 =	simm.s32 @!p2 $0x0  }
0x1d: {  	s5 =	simm.s32 @p1 $0x1;
	p0 =	seq.s32 s7, s2  }
0x1e: {  	s7 =	smul.u32 @!p0 $0xF7A, s2;
	p2 =	seq.s32 @!p0 s5, $0x0  }
0x1f: {  	s9 =	smul.u32 $0xF7A, s1;
	s8 =	simm.s32 @!p0 $0x1BF5;
	p2 =	por !p2, p0  }
0x20: {  	[sflag:s8] =	ssyncset.s32 @!p0 $0xFFFFF086;
	s6 =	sadd.s32 @!p0 s3, s7;
	s7 =	simm.s32 @!p0 $0x108  }
0x21: {  	s3 =	sadd.s32 s3, s9;
	s6 =	sadd.s32 @!p0 $0x88, s6;
	s7 =	simm.s32 @p2 $0x1082  }
0x22: {  	[simem:s7], [sflag:s8] =	dma.local @!p0 [hbm:s6], $0xF7A  }
0x23: {  	s9 =	sor.u32 $0xD0000000, s2;
	s6 =	simm.s32 $0x108;
	_ =	swait.ge @!p0 [sflag:s8], $0x0  }
0x24: {  	s3 =	sadd.s32 $0x88, s3;
	s6 =	simm.s32 @!p1 $0x1082;
	[sflag:s4] =	ssyncset.s32 $0xFFFFF086  }
0x25: {  	[simem:s6], [sflag:s4] =	dma.local [hbm:s3], $0xF7A  }
0x26: {  	[smem:$0x3F97] =	sst s1;
	(tag) =	ssettag s2;
	_ =	strace s9  }
0x27: {  	s1 =	sld [smem:$0x3FA7]  }
0x28: {  	s2 =	sld [smem:$0x3FA8]  }
0x29: {  	s4 =	sld [smem:$0x3FAA]  }
0x2a: {  	p0 =	seq.s32 s5, $0x0;
	s5 =	sld [smem:$0x3FAB]  }
0x2b: {  	s6 =	sld [smem:$0x3FAC]  }
0x2c: {  	s7 =	sld [smem:$0x3FAD]  }
0x2d: {  	s3 =	simm.s32 $0x108;
	s8 =	sld [smem:$0x3FAE]  }
0x2e: {  	s3 =	simm.s32 @!p0 $0x1082;
	s9 =	sld [smem:$0x3FAF]  }
0x2f: {  	lr =	sadd.s32 s0, s3;
	s0 =	sld [smem:$0x3FA6]  }
0x30: {  	s3 =	sld [smem:$0x3FA9]  }
0x31: {  	[smem:$0x3FB2] =	sst s10  }
0x32: {  	s10 =	sld [smem:$0x3FB0];
	_ =	sdelay $0x3  }
0x33: {  	p0 =	seq.s32 s10, $0x1;
	s10 =	sld [smem:$0x3FB2];
	_ =	sdelay $0x3  }
0x34: {  	[smem:$0x3FB2] =	sst s10  }
0x35: {  	s10 =	sld [smem:$0x3FB1];
	_ =	sdelay $0x3  }
0x36: {  	p1 =	seq.s32 s10, $0x1;
	s10 =	sld [smem:$0x3FB2];
	_ =	sdelay $0x3  }
0x37: {  	[smem:$0x3FB2] =	sst s10  }
0x38: {  	s10 =	sld [smem:$0x3FB3]  }
0x39: {  	_ = 	snop;
	(pc) =	sbr.ind lr, $3  }
0x3a: {  	_ = 	snop  }
0x3b: {  	_ = 	snop  }
0x3c: {  	p2 =	seq.s32 s10, $0x1;
	s10 =	sld [smem:$0x3FB2]  }
0x3d: {  	_ =	shalt  }
0x3e: {  	_ =	shalt  }
0x3f: {  	_ =	shalt  }
0x40: {  	_ =	shalt  }
0x41: {  	_ =	shalt  }
0x42: {  	_ =	shalt  }
0x43: {  	_ =	shalt  }
0x44: {  	_ =	shalt  }
0x45: {  	_ =	shalt  }
0x46: {  	_ =	shalt  }
0x47: {  	_ =	shalt  }
0x48: {  	_ =	shalt  }
0x49: {  	_ =	shalt  }
0x4a: {  	_ =	shalt  }
0x4b: {  	_ =	shalt  }
0x4c: {  	_ =	shalt  }
0x4d: {  	_ =	shalt  }
0x4e: {  	_ =	shalt  }
0x4f: {  	_ =	shalt  }
0x50: {  	_ =	shalt  }
0x51: {  	_ =	shalt  }
0x52: {  	_ =	shalt  }
0x53: {  	_ =	shalt  }
0x54: {  	_ =	shalt  }
0x55: {  	_ =	shalt  }
0x56: {  	_ =	shalt  }
0x57: {  	_ =	shalt  }
0x58: {  	_ =	shalt  }
0x59: {  	_ =	shalt  }
0x5a: {  	_ =	shalt  }
0x5b: {  	_ =	shalt  }
0x5c: {  	_ =	shalt  }
0x5d: {  	_ =	shalt  }
0x5e: {  	_ =	shalt  }
0x5f: {  	_ =	shalt  }
0x60: {  	_ =	shalt  }
0x61: {  	_ =	shalt  }
0x62: {  	_ =	shalt  }
0x63: {  	_ =	shalt  }
0x64: {  	_ =	shalt  }
0x65: {  	_ =	shalt  }
0x66: {  	_ =	shalt  }
0x67: {  	_ =	shalt  }
0x68: {  	_ =	shalt  }
0x69: {  	_ =	shalt  }
0x6a: {  	_ =	shalt  }
0x6b: {  	_ =	shalt  }
0x6c: {  	_ =	shalt  }
0x6d: {  	_ =	shalt  }
0x6e: {  	_ =	shalt  }
0x6f: {  	_ =	shalt  }
0x70: {  	_ =	shalt  }
0x71: {  	_ =	shalt  }
0x72: {  	_ =	shalt  }
0x73: {  	_ =	shalt  }
0x74: {  	_ =	shalt  }
0x75: {  	_ =	shalt  }
0x76: {  	_ =	shalt  }
0x77: {  	_ =	shalt  }
0x78: {  	_ =	shalt  }
0x79: {  	_ =	shalt  }
0x7a: {  	_ =	shalt  }
0x7b: {  	_ =	shalt  }
0x7c: {  	_ =	shalt  }
0x7d: {  	_ =	shalt  }
0x7e: {  	_ =	shalt  }
0x7f: {  	_ =	shalt  }
0x80: {  	_ =	shalt  }
0x81: {  	_ =	shalt  }
0x82: {  	_ =	shalt  }
0x83: {  	_ =	shalt  }
0x84: {  	_ =	shalt  }
0x85: {  	_ =	shalt  }
0x86: {  	_ =	shalt  }
0x87: {  	_ =	shalt  }
.Lfunc_end0:
.L_simem_size_0:
called_computation_lowered:
.L_overlay_start_0:
0x88: {  	s2 =	sld [smem:$0x3FD9]  }
0x89: {  	s3 =	sld [smem:$0x3FFE];
	_ =	sdelay $0x1  }
0x8a: {  	s1 =	srdreg.scid  }
0x8b: {  	s0 =	sand.u32 $0x1, s1  }
0x8c: {  	s16 =	sshll.u32 s0, $0xA;
	s2 =	sadd.s32 s3, s2  }
0x8d: {  	s2 =	sadd.s32 s2, s16  }
0x8e: {  	[smem:$0x3FBE] =	sst s2  }
0x8f: {  	_ = 	snop  }
0x90: {  	(tm) =	ssettm $0x1  }
0x91: {  	s17 =	sld [smem:$0x3FFB];
	_ =	sdelay $0x3  }
0x92: {  	_ =	strace s17  }
0x93: {  	s2 =	sld [smem:$0x3FFC];
	_ =	sdelay $0x3  }
0x94: {  	_ =	strace s2  }
0x95: {  	s2 =	sld [smem:$0x3FFD];
	_ =	sdelay $0x3  }
0x96: {  	_ =	strace s2  }
0x97: {  	_ =	strace $0x8FFFFFFF  }
0x98: {  	s18 =	sld [smem:$0x3FDB];
	_ =	sdelay $0x1  }
0x99: {  	s19 =	simm.s32 $_scs_section_size  }
0x9a: {  	s4 =	simm.s32 $_size__tile_overlayer_lowered;
	s5 =	simm.s32 $_tile_overlayer_lowered  }
0x9b: {  	s22 =	simm.s32 $0x1BFF;
	s21 =	sshll.u32 s5, $0x1;
	s2 =	sadd.s32 s19, s18  }
0x9c: {  	s6 =	simm.s32 $0x0;
	s20 =	sshll.u32 s4, $0x1;
	s4 =	sadd.s32 s21, s2  }
0x9d: {  	[timem:s6], [sflag:s22] =	dma.local [hbm:s4], s20  }
0x9e: {  	_ =	swait.ge [sflag:s22], s20  }
0x9f: {  	s3 =	ssub.s32 $0x0, s20;
	[sflag:s22] =	ssyncset.done $0x0  }
0xa0: {  	[sflag:s22] =	ssyncadd.s32 s3;
	_ =	sdelay $0x1  }
0xa1: {  	s23 =	simm.s32 $0x1B8B  }
0xa2: {  	_ =	swait.ge [sflag:s23], $0x1  }
0xa3: {  	[sflag:s23] =	ssyncset.done $0x0  }
0xa4: {  	s25 =	simm.s32 $0x1B8E;
	s24 =	sld [smem:$0x3FFE];
	[sflag:s23] =	ssyncadd.s32 $0xFFFFFFFF  }
0xa5: {  	s26 =	simm.s32 $execute0_lowered;
	[smem:$0x3FD2] =	sst s25  }
0xa6: {  	s4 =	sshll.u32 s26, $0x1;
	_ =	strace $0x80000046;
	[dreg:$0x1] =	wrdreg $0xFFFFFFFF  }
0xa7: {  	s28 =	simm.s32 $_size_execute0_lowered;
	s2 =	sadd.s32 s2, s4;
	[dreg:$0x0] =	wrdreg $0x0  }
0xa8: {  	s4 =	sshll.u32 s28, $0x1;
	[dreg:$0x2] =	wrdreg s2  }
0xa9: {  	[dreg:$0x3] =	wrdreg s4  }
0xaa: {  	[dreg:$0x4] =	wrdreg $0xC0  }
0xab: {  	_ =	task [dreg:s6], $0x5FFFF  }
0xac: {  	[dreg:$0x1] =	wrdreg $0xFFFFFFFF  }
0xad: {  	[dreg:$0x0] =	wrdreg $0x60  }
0xae: {  	[dreg:$0x2] =	wrdreg s24  }
0xaf: {  	[dreg:$0x3] =	wrdreg $0x9  }
0xb0: {  	_ =	task.clear_ibuf [dreg:s6], $0x4FFFF;
	_ =	strace $0x90000046  }
0xb1: {  	s29 =	simm.s32 $0x9;
	_ =	strace $0x80000048  }
0xb2: {  	_ =	swait.ge [sflag:s29], $0x1  }
0xb3: {  	[sflag:s29] =	ssyncadd.s32 $0xFFFFFFFF  }
0xb4: {  	_ =	strace $0x90000048  }
0xb5: {  	_ =	sfence  }
0xb6: {  	s30 =	sld [smem:$0x0];
	_ =	sdelay $0x2  }
0xb7: {  	s31 =	sshll.u32 s1, $0xD;
	s1 =	sshrl.u32 s1, $0x2  }
0xb8: {  	s3 =	sand.u32 $0x4000, s31;
	s1 =	sadd.s32 s1, s30  }
0xb9: {  	s0 =	sor.u32 s3, s0;
	s1 =	sshll.u32 s1, $0x11  }
0xba: {  	s0 =	sor.u32 s1, s0  }
0xbb: {  	s0 =	sadd.s32 $0x8F2B, s0  }
0xbc: {  	[sflag:s0] =	ssyncadd.remote.s32 $0x1  }
0xbd: {  	_ =	sfence.sel $0xFFFF  }
0xbe: {  	[dreg:$0x0] =	wrdreg $0xFFFFFFFF;
	(pc) =	sbr.abs _section_cstart, $3  }
0xbf: {  	[dreg:$0x1] =	wrdreg $0xFFFFFFFF  }
0xc0: {  	_ =	task.clear_ibuf [dreg:s6], $0x2FFFF;
	_ =	strace $0x9FFFFFFF  }
0xc1: {  	(tm) =	ssettm $0x7FFFFFFF  }
tec
execute0_lowered:
.L_overlay_start_1:
0x0: {  	(tag) =	ssettag $0x1  }
0x1: {  	s0 =	srdreg.scid  }
0x2: {  	s1 =	stileid.u32;
	s6 =	rddreg [dreg:$0x0];
	s2 =	simm.s32 $0x0  }
0x3: {  	s8 =	simm.s32 $0x3;
	s9 =	simm.s32 $0x400;
	s18 =	simm.s32 $0x1  }
0x4: {  	s19 =	simm.s32 $0x2;
	s28 =	simm.s32 $0x3400;
	s29 =	simm.s32 $0x3C00  }
0x5: {  	s30 =	simm.s32 $0x4400;
	s0 =	sand.u32 $0x1, s0;
	s1 =	sshll.u32 s1, $0x1  }
0x6: {  	s31 =	simm.s32 $0x4C00;
	s16 =	simm.s32 $0x5400;
	s1 =	sor.u32 s0, s1  }
0x7: {  	s15 =	simm.s32 $0x5C00;
	s11 =	simm.s32 $0x6C00;
	s3 =	sshll.u32 s1, $0x7  }
0x8: {  	s12 =	simm.s32 $0x7400;
	s1 =	sshll.u32 s1, $0xF;
	s3 =	sadd.s32 s3, s6  }
0x9: {  	[smem:$0x7FF] =	sst s2;
	s1 =	sadd.s32 s1, s6;
	s3 =	sadd.s32 $0x2200, s3  }
0xa: {  	_ =	strace $0x80000047;
	s21 =	sadd.s32 $0x22600, s1;
	[dreg:$0x2] =	wrdreg s3  }
0xb: {  	s13 =	simm.s32 $0x7C00;
	s22 =	sadd.s32 $0x23600, s1;
	[dreg:$0x3] =	wrdreg s21  }
0xc: {  	s0 =	ssub.s32 $0x2, s0;
	s4 =	sadd.s32 $0x24600, s1;
	[dreg:$0x4] =	wrdreg s22  }
0xd: {  	s5 =	sshrl.u32 s0, $0x1;
	s23 =	sadd.s32 $0x25600, s1;
	[dreg:$0x5] =	wrdreg s4  }
0xe: {  	s0 =	ssub.s32 s0, s5;
	s24 =	sadd.s32 $0x26600, s1;
	[dreg:$0x6] =	wrdreg s23  }
0xf: {  	s5 =	sadd.s32 $0x3400, s6;
	s25 =	sadd.s32 $0x27600, s1;
	[dreg:$0x7] =	wrdreg s24  }
0x10: {  	s26 =	sadd.s32 $0x28600, s1;
	s1 =	sadd.s32 $0x29600, s1;
	[dreg:$0x8] =	wrdreg s25  }
0x11: {  	s7 =	smax.u32 s0, $0x1;
	s3 =	sadd.s32 $0x3200, s6;
	[dreg:$0x9] =	wrdreg s26  }
0x12: {  	v2 =	vlaneseq.u32;
	s4 =	sadd.s32 $0x3300, s6;
	s6 =	sadd.s32 $0x3500, s6;
	[dreg:$0xa] =	wrdreg s1  }
0x13: {  	vm0 =	vmmov $0xffff;
	v1 =	vshrl.u32 v2, $0x3;
	s25 =	simm.s32 $0x8400;
	s21 =	simm.s32 $0xC00;
	s22 =	simm.s32 $0x1400  }
0x14: {  	v0 =	vand.u32 $0x7, v2;
	v2 =	vor.u32 $0x8, v2;
	v1 =	vmul.u32 $0x8, v1;
	s23 =	simm.s32 $0x1C00;
	s24 =	simm.s32 $0x2400;
	s26 =	simm.s32 $0x2C00  }
.LBB2_1:
0x15: {  	s20 =	rddreg [dreg:$0x2]  }
0x16: {  	[tilespmem:s2], [sflag:$0x3] =	stream.linear.gather [hbm4b:s20+s2], $0x400, $0x38;
	[tilespmem:$0x10400] =	vst v63  }
0x17: {  	_ =	swait.ge [sflag:s8], $0x400  }
0x18: {  	[sflag:s8] =	ssyncset.done $0x0  }
0x19: {  	[sflag:s8] =	ssyncadd.s32 $0xFFFFFC00  }
0x1a: {  	v3 =	vld [tilespmem:$0x0];
	_ =	sdelay $0x4  }
0x1b: {  	v4 =	vshll.u32 v3, $0x3  }
0x1c: {  	v3 =	vand.u32 $0x7, v3;
	v4 =	vand.u32 $0xFFFFFFC0, v4  }
0x1d: {  	v3 =	vor.u32 v3, v4  }
0x1e: {  	v4 =	vperm.xlane v3, v0;
	_ =	sdelay $0x1  }
0x1f: {  	v4 =	vadd.s32 v1, v4;
	_ =	sdelay $0x4  }
0x20: {  	[tilespmem:s9], [sflag:$0x1] =	stream.indirect_vreg.gather [hbm4b:s3+s2], $0x80, v4, vm0, $0xb8;
	[tilespmem:$0x10400] =	vst v63  }
0x21: {  	v3 =	vperm.xlane v3, v2  }
0x22: {  	[tilespmem:s21], [sflag:$0x1] =	stream.indirect_vreg.gather [hbm4b:s4+s2], $0x80, v4, vm0, $0xb8;
	[tilespmem:$0x10400] =	vst v63  }
0x23: {  	v3 =	vadd.s32 v1, v3  }
0x24: {  	[tilespmem:s22], [sflag:$0x1] =	stream.indirect_vreg.gather [hbm4b:s5+s2], $0x80, v4, vm0, $0xb8;
	[tilespmem:$0x10400] =	vst v63  }
0x25: {  	_ = 	snop  }
0x26: {  	[tilespmem:s23], [sflag:$0x1] =	stream.indirect_vreg.gather [hbm4b:s6+s2], $0x80, v4, vm0, $0xb8;
	[tilespmem:$0x10400] =	vst v63  }
0x27: {  	_ = 	snop  }
0x28: {  	[tilespmem:s24], [sflag:$0x1] =	stream.indirect_vreg.gather [hbm4b:s3+s2], $0x80, v3, vm0, $0xb8;
	[tilespmem:$0x10400] =	vst v63  }
0x29: {  	_ = 	snop  }
0x2a: {  	[tilespmem:s26], [sflag:$0x1] =	stream.indirect_vreg.gather [hbm4b:s4+s2], $0x80, v3, vm0, $0xb8;
	[tilespmem:$0x10400] =	vst v63  }
0x2b: {  	_ = 	snop  }
0x2c: {  	[tilespmem:s28], [sflag:$0x1] =	stream.indirect_vreg.gather [hbm4b:s5+s2], $0x80, v3, vm0, $0xb8;
	[tilespmem:$0x10400] =	vst v63  }
0x2d: {  	_ = 	snop  }
0x2e: {  	[tilespmem:s29], [sflag:$0x1] =	stream.indirect_vreg.gather [hbm4b:s6+s2], $0x80, v3, vm0, $0xb8;
	[tilespmem:$0x10400] =	vst v63  }
0x2f: {  	v3 =	vld [tilespmem:$0x10];
	_ =	sdelay $0x4  }
0x30: {  	v49 =	vshll.u32 v3, $0x3  }
0x31: {  	v3 =	vand.u32 $0x7, v3;
	v4 =	vand.u32 $0xFFFFFFC0, v49  }
0x32: {  	v3 =	vor.u32 v3, v4  }
0x33: {  	v4 =	vperm.xlane v3, v0;
	_ =	sdelay $0x1  }
0x34: {  	v4 =	vadd.s32 v1, v4;
	_ =	sdelay $0x4  }
0x35: {  	[tilespmem:s30], [sflag:$0x1] =	stream.indirect_vreg.gather [hbm4b:s3+s2], $0x80, v4, vm0, $0xb8;
	[tilespmem:$0x10400] =	vst v63  }
0x36: {  	v3 =	vperm.xlane v3, v2  }
0x37: {  	[tilespmem:s31], [sflag:$0x1] =	stream.indirect_vreg.gather [hbm4b:s4+s2], $0x80, v4, vm0, $0xb8;
	[tilespmem:$0x10400] =	vst v63  }
0x38: {  	v3 =	vadd.s32 v1, v3  }
0x39: {  	[tilespmem:s16], [sflag:$0x1] =	stream.indirect_vreg.gather [hbm4b:s5+s2], $0x80, v4, vm0, $0xb8;
	[tilespmem:$0x10400] =	vst v63  }
0x3a: {  	_ = 	snop  }
0x3b: {  	[tilespmem:s15], [sflag:$0x1] =	stream.indirect_vreg.gather [hbm4b:s6+s2], $0x80, v4, vm0, $0xb8;
	[tilespmem:$0x10400] =	vst v63  }
0x3c: {  	s10 =	simm.s32 $0x6400  }
0x3d: {  	[tilespmem:s10], [sflag:$0x1] =	stream.indirect_vreg.gather [hbm4b:s3+s2], $0x80, v3, vm0, $0xb8;
	[tilespmem:$0x10400] =	vst v63  }
0x3e: {  	_ = 	snop  }
0x3f: {  	[tilespmem:s11], [sflag:$0x1] =	stream.indirect_vreg.gather [hbm4b:s4+s2], $0x80, v3, vm0, $0xb8;
	[tilespmem:$0x10400] =	vst v63  }
0x40: {  	_ = 	snop  }
0x41: {  	[tilespmem:s12], [sflag:$0x1] =	stream.indirect_vreg.gather [hbm4b:s5+s2], $0x80, v3, vm0, $0xb8;
	[tilespmem:$0x10400] =	vst v63  }
0x42: {  	_ = 	snop  }
0x43: {  	[tilespmem:s13], [sflag:$0x1] =	stream.indirect_vreg.gather [hbm4b:s6+s2], $0x80, v3, vm0, $0xb8;
	[tilespmem:$0x10400] =	vst v63  }
0x44: {  	v3 =	vld [tilespmem:$0x80];
	_ =	sdelay $0x4  }
0x45: {  	v50 =	vshll.u32 v3, $0x3  }
0x46: {  	v3 =	vand.u32 $0x7, v3;
	v4 =	vand.u32 $0xFFFFFFC0, v50  }
0x47: {  	v3 =	vor.u32 v3, v4  }
0x48: {  	v4 =	vperm.xlane v3, v0;
	_ =	sdelay $0x1  }
0x49: {  	v4 =	vadd.s32 v1, v4;
	_ =	sdelay $0x4  }
0x4a: {  	[tilespmem:s25], [sflag:$0x2] =	stream.indirect_vreg.gather [hbm4b:s3+s2], $0x80, v4, vm0, $0xb8;
	[tilespmem:$0x10400] =	vst v63  }
0x4b: {  	s14 =	simm.s32 $0x8C00;
	v3 =	vperm.xlane v3, v2  }
0x4c: {  	[tilespmem:s14], [sflag:$0x2] =	stream.indirect_vreg.gather [hbm4b:s4+s2], $0x80, v4, vm0, $0xb8;
	[tilespmem:$0x10400] =	vst v63  }
0x4d: {  	s17 =	simm.s32 $0x9400;
	v3 =	vadd.s32 v1, v3  }
0x4e: {  	[tilespmem:s17], [sflag:$0x2] =	stream.indirect_vreg.gather [hbm4b:s5+s2], $0x80, v4, vm0, $0xb8;
	[tilespmem:$0x10400] =	vst v63  }
0x4f: {  	s20 =	simm.s32 $0x9C00  }
0x50: {  	[tilespmem:s20], [sflag:$0x2] =	stream.indirect_vreg.gather [hbm4b:s6+s2], $0x80, v4, vm0, $0xb8;
	[tilespmem:$0x10400] =	vst v63  }
0x51: {  	s1 =	simm.s32 $0xA400  }
0x52: {  	[tilespmem:s1], [sflag:$0x2] =	stream.indirect_vreg.gather [hbm4b:s3+s2], $0x80, v3, vm0, $0xb8;
	[tilespmem:$0x10400] =	vst v63  }
0x53: {  	s17 =	simm.s32 $0xAC00  }
0x54: {  	[tilespmem:s17], [sflag:$0x2] =	stream.indirect_vreg.gather [hbm4b:s4+s2], $0x80, v3, vm0, $0xb8;
	[tilespmem:$0x10400] =	vst v63  }
0x55: {  	s1 =	simm.s32 $0xB400  }
0x56: {  	[tilespmem:s1], [sflag:$0x2] =	stream.indirect_vreg.gather [hbm4b:s5+s2], $0x80, v3, vm0, $0xb8;
	[tilespmem:$0x10400] =	vst v63  }
0x57: {  	s14 =	simm.s32 $0xBC00  }
0x58: {  	[tilespmem:s14], [sflag:$0x2] =	stream.indirect_vreg.gather [hbm4b:s6+s2], $0x80, v3, vm0, $0xb8;
	[tilespmem:$0x10400] =	vst v63  }
0x59: {  	v3 =	vld [tilespmem:$0x90];
	_ =	sdelay $0x4  }
0x5a: {  	v51 =	vshll.u32 v3, $0x3  }
0x5b: {  	v3 =	vand.u32 $0x7, v3;
	v4 =	vand.u32 $0xFFFFFFC0, v51  }
0x5c: {  	v3 =	vor.u32 v3, v4  }
0x5d: {  	v4 =	vperm.xlane v3, v0;
	_ =	sdelay $0x1  }
0x5e: {  	v4 =	vadd.s32 v1, v4;
	_ =	sdelay $0x3  }
0x5f: {  	s17 =	simm.s32 $0xC400  }
0x60: {  	[tilespmem:s17], [sflag:$0x2] =	stream.indirect_vreg.gather [hbm4b:s3+s2], $0x80, v4, vm0, $0xb8;
	[tilespmem:$0x10400] =	vst v63  }
0x61: {  	s1 =	simm.s32 $0xCC00;
	v3 =	vperm.xlane v3, v2  }
0x62: {  	[tilespmem:s1], [sflag:$0x2] =	stream.indirect_vreg.gather [hbm4b:s4+s2], $0x80, v4, vm0, $0xb8;
	[tilespmem:$0x10400] =	vst v63  }
0x63: {  	v3 =	vadd.s32 v1, v3;
	s1 =	simm.s32 $0xD400  }
0x64: {  	[tilespmem:s1], [sflag:$0x2] =	stream.indirect_vreg.gather [hbm4b:s5+s2], $0x80, v4, vm0, $0xb8;
	[tilespmem:$0x10400] =	vst v63  }
0x65: {  	s1 =	simm.s32 $0xDC00  }
0x66: {  	[tilespmem:s1], [sflag:$0x2] =	stream.indirect_vreg.gather [hbm4b:s6+s2], $0x80, v4, vm0, $0xb8;
	[tilespmem:$0x10400] =	vst v63  }
0x67: {  	s1 =	simm.s32 $0xE400  }
0x68: {  	[tilespmem:s1], [sflag:$0x2] =	stream.indirect_vreg.gather [hbm4b:s3+s2], $0x80, v3, vm0, $0xb8;
	[tilespmem:$0x10400] =	vst v63  }
0x69: {  	s1 =	simm.s32 $0xEC00  }
0x6a: {  	[tilespmem:s1], [sflag:$0x2] =	stream.indirect_vreg.gather [hbm4b:s4+s2], $0x80, v3, vm0, $0xb8;
	[tilespmem:$0x10400] =	vst v63  }
0x6b: {  	s1 =	simm.s32 $0xF400  }
0x6c: {  	[tilespmem:s1], [sflag:$0x2] =	stream.indirect_vreg.gather [hbm4b:s5+s2], $0x80, v3, vm0, $0xb8;
	[tilespmem:$0x10400] =	vst v63  }
0x6d: {  	s1 =	simm.s32 $0xFC00  }
0x6e: {  	[tilespmem:s1], [sflag:$0x2] =	stream.indirect_vreg.gather [hbm4b:s6+s2], $0x80, v3, vm0, $0xb8;
	[tilespmem:$0x10400] =	vst v63  }
0x6f: {  	_ =	swait.ge [sflag:s18], $0x8000  }
0x70: {  	[sflag:s18] =	ssyncset.done $0x0  }
0x71: {  	s1 =	rddreg [dreg:$0x3];
	[sflag:s18] =	ssyncadd.s32 $0xFFFF8000  }
0x72: {  	[hbm4b:s1+s2] =	stream.linear.scatter [tilespmem:s9], [sflag:$0x3], $0x8000, $0x38;
	[tilespmem:$0x10400] =	vst v63  }
0x73: {  	_ =	swait.ge [sflag:s8], $0x8000  }
0x74: {  	[sflag:s8] =	ssyncset.done $0x0  }
0x75: {  	[sflag:s8] =	ssyncadd.s32 $0xFFFF8000  }
0x76: {  	v3 =	vld [tilespmem:$0x100];
	_ =	sdelay $0x4  }
0x77: {  	v52 =	vshll.u32 v3, $0x3  }
0x78: {  	v3 =	vand.u32 $0x7, v3;
	v4 =	vand.u32 $0xFFFFFFC0, v52  }
0x79: {  	v3 =	vor.u32 v3, v4  }
0x7a: {  	v4 =	vperm.xlane v3, v0;
	_ =	sdelay $0x1  }
0x7b: {  	v4 =	vadd.s32 v1, v4;
	_ =	sdelay $0x4  }
0x7c: {  	[tilespmem:s9], [sflag:$0x1] =	stream.indirect_vreg.gather [hbm4b:s3+s2], $0x80, v4, vm0, $0xb8;
	[tilespmem:$0x10400] =	vst v63  }
0x7d: {  	v3 =	vperm.xlane v3, v2  }
0x7e: {  	[tilespmem:s21], [sflag:$0x1] =	stream.indirect_vreg.gather [hbm4b:s4+s2], $0x80, v4, vm0, $0xb8;
	[tilespmem:$0x10400] =	vst v63  }
0x7f: {  	v3 =	vadd.s32 v1, v3  }
0x80: {  	[tilespmem:s22], [sflag:$0x1] =	stream.indirect_vreg.gather [hbm4b:s5+s2], $0x80, v4, vm0, $0xb8;
	[tilespmem:$0x10400] =	vst v63  }
0x81: {  	_ = 	snop  }
0x82: {  	[tilespmem:s23], [sflag:$0x1] =	stream.indirect_vreg.gather [hbm4b:s6+s2], $0x80, v4, vm0, $0xb8;
	[tilespmem:$0x10400] =	vst v63  }
0x83: {  	_ = 	snop  }
0x84: {  	[tilespmem:s24], [sflag:$0x1] =	stream.indirect_vreg.gather [hbm4b:s3+s2], $0x80, v3, vm0, $0xb8;
	[tilespmem:$0x10400] =	vst v63  }
0x85: {  	_ = 	snop  }
0x86: {  	[tilespmem:s26], [sflag:$0x1] =	stream.indirect_vreg.gather [hbm4b:s4+s2], $0x80, v3, vm0, $0xb8;
	[tilespmem:$0x10400] =	vst v63  }
0x87: {  	_ = 	snop  }
0x88: {  	[tilespmem:s28], [sflag:$0x1] =	stream.indirect_vreg.gather [hbm4b:s5+s2], $0x80, v3, vm0, $0xb8;
	[tilespmem:$0x10400] =	vst v63  }
0x89: {  	_ = 	snop  }
0x8a: {  	[tilespmem:s29], [sflag:$0x1] =	stream.indirect_vreg.gather [hbm4b:s6+s2], $0x80, v3, vm0, $0xb8;
	[tilespmem:$0x10400] =	vst v63  }
0x8b: {  	v3 =	vld [tilespmem:$0x110];
	_ =	sdelay $0x4  }
0x8c: {  	v53 =	vshll.u32 v3, $0x3  }
0x8d: {  	v3 =	vand.u32 $0x7, v3;
	v4 =	vand.u32 $0xFFFFFFC0, v53  }
0x8e: {  	v3 =	vor.u32 v3, v4  }
0x8f: {  	v4 =	vperm.xlane v3, v0;
	_ =	sdelay $0x1  }
0x90: {  	v4 =	vadd.s32 v1, v4;
	_ =	sdelay $0x4  }
0x91: {  	[tilespmem:s30], [sflag:$0x1] =	stream.indirect_vreg.gather [hbm4b:s3+s2], $0x80, v4, vm0, $0xb8;
	[tilespmem:$0x10400] =	vst v63  }
0x92: {  	v3 =	vperm.xlane v3, v2  }
0x93: {  	[tilespmem:s31], [sflag:$0x1] =	stream.indirect_vreg.gather [hbm4b:s4+s2], $0x80, v4, vm0, $0xb8;
	[tilespmem:$0x10400] =	vst v63  }
0x94: {  	v3 =	vadd.s32 v1, v3  }
0x95: {  	[tilespmem:s16], [sflag:$0x1] =	stream.indirect_vreg.gather [hbm4b:s5+s2], $0x80, v4, vm0, $0xb8;
	[tilespmem:$0x10400] =	vst v63  }
0x96: {  	_ = 	snop  }
0x97: {  	[tilespmem:s15], [sflag:$0x1] =	stream.indirect_vreg.gather [hbm4b:s6+s2], $0x80, v4, vm0, $0xb8;
	[tilespmem:$0x10400] =	vst v63  }
0x98: {  	_ = 	snop  }
0x99: {  	[tilespmem:s10], [sflag:$0x1] =	stream.indirect_vreg.gather [hbm4b:s3+s2], $0x80, v3, vm0, $0xb8;
	[tilespmem:$0x10400] =	vst v63  }
0x9a: {  	_ = 	snop  }
0x9b: {  	[tilespmem:s11], [sflag:$0x1] =	stream.indirect_vreg.gather [hbm4b:s4+s2], $0x80, v3, vm0, $0xb8;
	[tilespmem:$0x10400] =	vst v63  }
0x9c: {  	_ = 	snop  }
0x9d: {  	[tilespmem:s12], [sflag:$0x1] =	stream.indirect_vreg.gather [hbm4b:s5+s2], $0x80, v3, vm0, $0xb8;
	[tilespmem:$0x10400] =	vst v63  }
0x9e: {  	_ = 	snop  }
0x9f: {  	[tilespmem:s13], [sflag:$0x1] =	stream.indirect_vreg.gather [hbm4b:s6+s2], $0x80, v3, vm0, $0xb8;
	[tilespmem:$0x10400] =	vst v63  }
0xa0: {  	_ =	swait.ge [sflag:s19], $0x8000  }
0xa1: {  	[sflag:s19] =	ssyncset.done $0x0  }
0xa2: {  	s1 =	rddreg [dreg:$0x4];
	[sflag:s19] =	ssyncadd.s32 $0xFFFF8000  }
0xa3: {  	[hbm4b:s1+s2] =	stream.linear.scatter [tilespmem:s25], [sflag:$0x3], $0x8000, $0x38;
	[tilespmem:$0x10400] =	vst v63  }
0xa4: {  	_ =	swait.ge [sflag:s8], $0x8000  }
0xa5: {  	[sflag:s8] =	ssyncset.done $0x0  }
0xa6: {  	[sflag:s8] =	ssyncadd.s32 $0xFFFF8000  }
0xa7: {  	v3 =	vld [tilespmem:$0x180];
	_ =	sdelay $0x4  }
0xa8: {  	v54 =	vshll.u32 v3, $0x3  }
0xa9: {  	v3 =	vand.u32 $0x7, v3;
	v4 =	vand.u32 $0xFFFFFFC0, v54  }
0xaa: {  	v3 =	vor.u32 v3, v4  }
0xab: {  	v4 =	vperm.xlane v3, v0;
	_ =	sdelay $0x1  }
0xac: {  	v4 =	vadd.s32 v1, v4;
	_ =	sdelay $0x4  }
0xad: {  	[tilespmem:s25], [sflag:$0x2] =	stream.indirect_vreg.gather [hbm4b:s3+s2], $0x80, v4, vm0, $0xb8;
	[tilespmem:$0x10400] =	vst v63  }
0xae: {  	s0 =	simm.s32 $0x8C00;
	v3 =	vperm.xlane v3, v2  }
0xaf: {  	[tilespmem:s0], [sflag:$0x2] =	stream.indirect_vreg.gather [hbm4b:s4+s2], $0x80, v4, vm0, $0xb8;
	[tilespmem:$0x10400] =	vst v63  }
0xb0: {  	v3 =	vadd.s32 v1, v3;
	s0 =	simm.s32 $0x9400  }
0xb1: {  	[tilespmem:s0], [sflag:$0x2] =	stream.indirect_vreg.gather [hbm4b:s5+s2], $0x80, v4, vm0, $0xb8;
	[tilespmem:$0x10400] =	vst v63  }
0xb2: {  	s1 =	simm.s32 $0x9C00  }
0xb3: {  	[tilespmem:s1], [sflag:$0x2] =	stream.indirect_vreg.gather [hbm4b:s6+s2], $0x80, v4, vm0, $0xb8;
	[tilespmem:$0x10400] =	vst v63  }
0xb4: {  	s20 =	simm.s32 $0xA400  }
0xb5: {  	[tilespmem:s20], [sflag:$0x2] =	stream.indirect_vreg.gather [hbm4b:s3+s2], $0x80, v3, vm0, $0xb8;
	[tilespmem:$0x10400] =	vst v63  }
0xb6: {  	s20 =	simm.s32 $0xAC00  }
0xb7: {  	[tilespmem:s20], [sflag:$0x2] =	stream.indirect_vreg.gather [hbm4b:s4+s2], $0x80, v3, vm0, $0xb8;
	[tilespmem:$0x10400] =	vst v63  }
0xb8: {  	s20 =	simm.s32 $0xB400  }
0xb9: {  	[tilespmem:s20], [sflag:$0x2] =	stream.indirect_vreg.gather [hbm4b:s5+s2], $0x80, v3, vm0, $0xb8;
	[tilespmem:$0x10400] =	vst v63  }
0xba: {  	s14 =	simm.s32 $0xBC00  }
0xbb: {  	[tilespmem:s14], [sflag:$0x2] =	stream.indirect_vreg.gather [hbm4b:s6+s2], $0x80, v3, vm0, $0xb8;
	[tilespmem:$0x10400] =	vst v63  }
0xbc: {  	v3 =	vld [tilespmem:$0x190];
	_ =	sdelay $0x4  }
0xbd: {  	v55 =	vshll.u32 v3, $0x3  }
0xbe: {  	v3 =	vand.u32 $0x7, v3;
	v4 =	vand.u32 $0xFFFFFFC0, v55  }
0xbf: {  	v3 =	vor.u32 v3, v4  }
0xc0: {  	v4 =	vperm.xlane v3, v0;
	_ =	sdelay $0x1  }
0xc1: {  	v4 =	vadd.s32 v1, v4;
	_ =	sdelay $0x3  }
0xc2: {  	s17 =	simm.s32 $0xC400  }
0xc3: {  	[tilespmem:s17], [sflag:$0x2] =	stream.indirect_vreg.gather [hbm4b:s3+s2], $0x80, v4, vm0, $0xb8;
	[tilespmem:$0x10400] =	vst v63  }
0xc4: {  	s20 =	simm.s32 $0xCC00;
	v3 =	vperm.xlane v3, v2  }
0xc5: {  	[tilespmem:s20], [sflag:$0x2] =	stream.indirect_vreg.gather [hbm4b:s4+s2], $0x80, v4, vm0, $0xb8;
	[tilespmem:$0x10400] =	vst v63  }
0xc6: {  	v3 =	vadd.s32 v1, v3;
	s17 =	simm.s32 $0xD400  }
0xc7: {  	[tilespmem:s17], [sflag:$0x2] =	stream.indirect_vreg.gather [hbm4b:s5+s2], $0x80, v4, vm0, $0xb8;
	[tilespmem:$0x10400] =	vst v63  }
0xc8: {  	s20 =	simm.s32 $0xDC00  }
0xc9: {  	[tilespmem:s20], [sflag:$0x2] =	stream.indirect_vreg.gather [hbm4b:s6+s2], $0x80, v4, vm0, $0xb8;
	[tilespmem:$0x10400] =	vst v63  }
0xca: {  	s17 =	simm.s32 $0xE400  }
0xcb: {  	[tilespmem:s17], [sflag:$0x2] =	stream.indirect_vreg.gather [hbm4b:s3+s2], $0x80, v3, vm0, $0xb8;
	[tilespmem:$0x10400] =	vst v63  }
0xcc: {  	s20 =	simm.s32 $0xEC00  }
0xcd: {  	[tilespmem:s20], [sflag:$0x2] =	stream.indirect_vreg.gather [hbm4b:s4+s2], $0x80, v3, vm0, $0xb8;
	[tilespmem:$0x10400] =	vst v63  }
0xce: {  	s17 =	simm.s32 $0xF400  }
0xcf: {  	[tilespmem:s17], [sflag:$0x2] =	stream.indirect_vreg.gather [hbm4b:s5+s2], $0x80, v3, vm0, $0xb8;
	[tilespmem:$0x10400] =	vst v63  }
0xd0: {  	s20 =	simm.s32 $0xFC00  }
0xd1: {  	[tilespmem:s20], [sflag:$0x2] =	stream.indirect_vreg.gather [hbm4b:s6+s2], $0x80, v3, vm0, $0xb8;
	[tilespmem:$0x10400] =	vst v63  }
0xd2: {  	_ =	swait.ge [sflag:s18], $0x8000  }
0xd3: {  	[sflag:s18] =	ssyncset.done $0x0  }
0xd4: {  	s17 =	rddreg [dreg:$0x5];
	[sflag:s18] =	ssyncadd.s32 $0xFFFF8000  }
0xd5: {  	[hbm4b:s17+s2] =	stream.linear.scatter [tilespmem:s9], [sflag:$0x3], $0x8000, $0x38;
	[tilespmem:$0x10400] =	vst v63  }
0xd6: {  	_ =	swait.ge [sflag:s8], $0x8000  }
0xd7: {  	[sflag:s8] =	ssyncset.done $0x0  }
0xd8: {  	[sflag:s8] =	ssyncadd.s32 $0xFFFF8000  }
0xd9: {  	v3 =	vld [tilespmem:$0x200];
	_ =	sdelay $0x4  }
0xda: {  	v56 =	vshll.u32 v3, $0x3  }
0xdb: {  	v3 =	vand.u32 $0x7, v3;
	v4 =	vand.u32 $0xFFFFFFC0, v56  }
0xdc: {  	v3 =	vor.u32 v3, v4  }
0xdd: {  	v4 =	vperm.xlane v3, v0;
	_ =	sdelay $0x1  }
0xde: {  	v4 =	vadd.s32 v1, v4;
	_ =	sdelay $0x4  }
0xdf: {  	[tilespmem:s9], [sflag:$0x1] =	stream.indirect_vreg.gather [hbm4b:s3+s2], $0x80, v4, vm0, $0xb8;
	[tilespmem:$0x10400] =	vst v63  }
0xe0: {  	v3 =	vperm.xlane v3, v2  }
0xe1: {  	[tilespmem:s21], [sflag:$0x1] =	stream.indirect_vreg.gather [hbm4b:s4+s2], $0x80, v4, vm0, $0xb8;
	[tilespmem:$0x10400] =	vst v63  }
0xe2: {  	v3 =	vadd.s32 v1, v3  }
0xe3: {  	[tilespmem:s22], [sflag:$0x1] =	stream.indirect_vreg.gather [hbm4b:s5+s2], $0x80, v4, vm0, $0xb8;
	[tilespmem:$0x10400] =	vst v63  }
0xe4: {  	_ = 	snop  }
0xe5: {  	[tilespmem:s23], [sflag:$0x1] =	stream.indirect_vreg.gather [hbm4b:s6+s2], $0x80, v4, vm0, $0xb8;
	[tilespmem:$0x10400] =	vst v63  }
0xe6: {  	_ = 	snop  }
0xe7: {  	[tilespmem:s24], [sflag:$0x1] =	stream.indirect_vreg.gather [hbm4b:s3+s2], $0x80, v3, vm0, $0xb8;
	[tilespmem:$0x10400] =	vst v63  }
0xe8: {  	_ = 	snop  }
0xe9: {  	[tilespmem:s26], [sflag:$0x1] =	stream.indirect_vreg.gather [hbm4b:s4+s2], $0x80, v3, vm0, $0xb8;
	[tilespmem:$0x10400] =	vst v63  }
0xea: {  	_ = 	snop  }
0xeb: {  	[tilespmem:s28], [sflag:$0x1] =	stream.indirect_vreg.gather [hbm4b:s5+s2], $0x80, v3, vm0, $0xb8;
	[tilespmem:$0x10400] =	vst v63  }
0xec: {  	_ = 	snop  }
0xed: {  	[tilespmem:s29], [sflag:$0x1] =	stream.indirect_vreg.gather [hbm4b:s6+s2], $0x80, v3, vm0, $0xb8;
	[tilespmem:$0x10400] =	vst v63  }
0xee: {  	v3 =	vld [tilespmem:$0x210];
	_ =	sdelay $0x4  }
0xef: {  	v57 =	vshll.u32 v3, $0x3  }
0xf0: {  	v3 =	vand.u32 $0x7, v3;
	v4 =	vand.u32 $0xFFFFFFC0, v57  }
0xf1: {  	v3 =	vor.u32 v3, v4  }
0xf2: {  	v4 =	vperm.xlane v3, v0;
	_ =	sdelay $0x1  }
0xf3: {  	v4 =	vadd.s32 v1, v4;
	_ =	sdelay $0x4  }
0xf4: {  	[tilespmem:s30], [sflag:$0x1] =	stream.indirect_vreg.gather [hbm4b:s3+s2], $0x80, v4, vm0, $0xb8;
	[tilespmem:$0x10400] =	vst v63  }
0xf5: {  	v3 =	vperm.xlane v3, v2  }
0xf6: {  	[tilespmem:s31], [sflag:$0x1] =	stream.indirect_vreg.gather [hbm4b:s4+s2], $0x80, v4, vm0, $0xb8;
	[tilespmem:$0x10400] =	vst v63  }
0xf7: {  	v3 =	vadd.s32 v1, v3  }
0xf8: {  	[tilespmem:s16], [sflag:$0x1] =	stream.indirect_vreg.gather [hbm4b:s5+s2], $0x80, v4, vm0, $0xb8;
	[tilespmem:$0x10400] =	vst v63  }
0xf9: {  	_ = 	snop  }
0xfa: {  	[tilespmem:s15], [sflag:$0x1] =	stream.indirect_vreg.gather [hbm4b:s6+s2], $0x80, v4, vm0, $0xb8;
	[tilespmem:$0x10400] =	vst v63  }
0xfb: {  	_ = 	snop  }
0xfc: {  	[tilespmem:s10], [sflag:$0x1] =	stream.indirect_vreg.gather [hbm4b:s3+s2], $0x80, v3, vm0, $0xb8;
	[tilespmem:$0x10400] =	vst v63  }
0xfd: {  	_ = 	snop  }
0xfe: {  	[tilespmem:s11], [sflag:$0x1] =	stream.indirect_vreg.gather [hbm4b:s4+s2], $0x80, v3, vm0, $0xb8;
	[tilespmem:$0x10400] =	vst v63  }
0xff: {  	_ = 	snop  }
0x100: {  	[tilespmem:s12], [sflag:$0x1] =	stream.indirect_vreg.gather [hbm4b:s5+s2], $0x80, v3, vm0, $0xb8;
	[tilespmem:$0x10400] =	vst v63  }
0x101: {  	_ = 	snop  }
0x102: {  	[tilespmem:s13], [sflag:$0x1] =	stream.indirect_vreg.gather [hbm4b:s6+s2], $0x80, v3, vm0, $0xb8;
	[tilespmem:$0x10400] =	vst v63  }
0x103: {  	_ =	swait.ge [sflag:s19], $0x8000  }
0x104: {  	[sflag:s19] =	ssyncset.done $0x0  }
0x105: {  	s14 =	rddreg [dreg:$0x6];
	[sflag:s19] =	ssyncadd.s32 $0xFFFF8000  }
0x106: {  	[hbm4b:s14+s2] =	stream.linear.scatter [tilespmem:s25], [sflag:$0x3], $0x8000, $0x38;
	[tilespmem:$0x10400] =	vst v63  }
0x107: {  	_ =	swait.ge [sflag:s8], $0x8000  }
0x108: {  	[sflag:s8] =	ssyncset.done $0x0  }
0x109: {  	[sflag:s8] =	ssyncadd.s32 $0xFFFF8000  }
0x10a: {  	v3 =	vld [tilespmem:$0x280];
	_ =	sdelay $0x4  }
0x10b: {  	v58 =	vshll.u32 v3, $0x3  }
0x10c: {  	v3 =	vand.u32 $0x7, v3;
	v4 =	vand.u32 $0xFFFFFFC0, v58  }
0x10d: {  	v3 =	vor.u32 v3, v4  }
0x10e: {  	v4 =	vperm.xlane v3, v0;
	_ =	sdelay $0x1  }
0x10f: {  	v4 =	vadd.s32 v1, v4;
	_ =	sdelay $0x4  }
0x110: {  	[tilespmem:s25], [sflag:$0x2] =	stream.indirect_vreg.gather [hbm4b:s3+s2], $0x80, v4, vm0, $0xb8;
	[tilespmem:$0x10400] =	vst v63  }
0x111: {  	s17 =	simm.s32 $0x8C00;
	v3 =	vperm.xlane v3, v2  }
0x112: {  	[tilespmem:s17], [sflag:$0x2] =	stream.indirect_vreg.gather [hbm4b:s4+s2], $0x80, v4, vm0, $0xb8;
	[tilespmem:$0x10400] =	vst v63  }
0x113: {  	v3 =	vadd.s32 v1, v3  }
0x114: {  	[tilespmem:s0], [sflag:$0x2] =	stream.indirect_vreg.gather [hbm4b:s5+s2], $0x80, v4, vm0, $0xb8;
	[tilespmem:$0x10400] =	vst v63  }
0x115: {  	_ = 	snop  }
0x116: {  	[tilespmem:s1], [sflag:$0x2] =	stream.indirect_vreg.gather [hbm4b:s6+s2], $0x80, v4, vm0, $0xb8;
	[tilespmem:$0x10400] =	vst v63  }
0x117: {  	s20 =	simm.s32 $0xA400  }
0x118: {  	[tilespmem:s20], [sflag:$0x2] =	stream.indirect_vreg.gather [hbm4b:s3+s2], $0x80, v3, vm0, $0xb8;
	[tilespmem:$0x10400] =	vst v63  }
0x119: {  	s17 =	simm.s32 $0xAC00  }
0x11a: {  	[tilespmem:s17], [sflag:$0x2] =	stream.indirect_vreg.gather [hbm4b:s4+s2], $0x80, v3, vm0, $0xb8;
	[tilespmem:$0x10400] =	vst v63  }
0x11b: {  	s20 =	simm.s32 $0xB400  }
0x11c: {  	[tilespmem:s20], [sflag:$0x2] =	stream.indirect_vreg.gather [hbm4b:s5+s2], $0x80, v3, vm0, $0xb8;
	[tilespmem:$0x10400] =	vst v63  }
0x11d: {  	s20 =	simm.s32 $0xBC00  }
0x11e: {  	[tilespmem:s20], [sflag:$0x2] =	stream.indirect_vreg.gather [hbm4b:s6+s2], $0x80, v3, vm0, $0xb8;
	[tilespmem:$0x10400] =	vst v63  }
0x11f: {  	v3 =	vld [tilespmem:$0x290];
	_ =	sdelay $0x4  }
0x120: {  	v59 =	vshll.u32 v3, $0x3  }
0x121: {  	v3 =	vand.u32 $0x7, v3;
	v4 =	vand.u32 $0xFFFFFFC0, v59  }
0x122: {  	v3 =	vor.u32 v3, v4  }
0x123: {  	v4 =	vperm.xlane v3, v0;
	_ =	sdelay $0x1  }
0x124: {  	v4 =	vadd.s32 v1, v4;
	_ =	sdelay $0x3  }
0x125: {  	s20 =	simm.s32 $0xC400  }
0x126: {  	[tilespmem:s20], [sflag:$0x2] =	stream.indirect_vreg.gather [hbm4b:s3+s2], $0x80, v4, vm0, $0xb8;
	[tilespmem:$0x10400] =	vst v63  }
0x127: {  	v3 =	vperm.xlane v3, v2;
	s20 =	simm.s32 $0xCC00  }
0x128: {  	[tilespmem:s20], [sflag:$0x2] =	stream.indirect_vreg.gather [hbm4b:s4+s2], $0x80, v4, vm0, $0xb8;
	[tilespmem:$0x10400] =	vst v63  }
0x129: {  	v3 =	vadd.s32 v1, v3;
	s20 =	simm.s32 $0xD400  }
0x12a: {  	[tilespmem:s20], [sflag:$0x2] =	stream.indirect_vreg.gather [hbm4b:s5+s2], $0x80, v4, vm0, $0xb8;
	[tilespmem:$0x10400] =	vst v63  }
0x12b: {  	s20 =	simm.s32 $0xDC00  }
0x12c: {  	[tilespmem:s20], [sflag:$0x2] =	stream.indirect_vreg.gather [hbm4b:s6+s2], $0x80, v4, vm0, $0xb8;
	[tilespmem:$0x10400] =	vst v63  }
0x12d: {  	s20 =	simm.s32 $0xE400  }
0x12e: {  	[tilespmem:s20], [sflag:$0x2] =	stream.indirect_vreg.gather [hbm4b:s3+s2], $0x80, v3, vm0, $0xb8;
	[tilespmem:$0x10400] =	vst v63  }
0x12f: {  	s20 =	simm.s32 $0xEC00  }
0x130: {  	[tilespmem:s20], [sflag:$0x2] =	stream.indirect_vreg.gather [hbm4b:s4+s2], $0x80, v3, vm0, $0xb8;
	[tilespmem:$0x10400] =	vst v63  }
0x131: {  	s20 =	simm.s32 $0xF400  }
0x132: {  	[tilespmem:s20], [sflag:$0x2] =	stream.indirect_vreg.gather [hbm4b:s5+s2], $0x80, v3, vm0, $0xb8;
	[tilespmem:$0x10400] =	vst v63  }
0x133: {  	s20 =	simm.s32 $0xFC00  }
0x134: {  	[tilespmem:s20], [sflag:$0x2] =	stream.indirect_vreg.gather [hbm4b:s6+s2], $0x80, v3, vm0, $0xb8;
	[tilespmem:$0x10400] =	vst v63  }
0x135: {  	_ =	swait.ge [sflag:s18], $0x8000  }
0x136: {  	[sflag:s18] =	ssyncset.done $0x0  }
0x137: {  	s20 =	rddreg [dreg:$0x7];
	[sflag:s18] =	ssyncadd.s32 $0xFFFF8000  }
0x138: {  	[hbm4b:s20+s2] =	stream.linear.scatter [tilespmem:s9], [sflag:$0x3], $0x8000, $0x38;
	[tilespmem:$0x10400] =	vst v63  }
0x139: {  	_ =	swait.ge [sflag:s8], $0x8000  }
0x13a: {  	[sflag:s8] =	ssyncset.done $0x0  }
0x13b: {  	[sflag:s8] =	ssyncadd.s32 $0xFFFF8000  }
0x13c: {  	v3 =	vld [tilespmem:$0x300];
	_ =	sdelay $0x4  }
0x13d: {  	v60 =	vshll.u32 v3, $0x3  }
0x13e: {  	v3 =	vand.u32 $0x7, v3;
	v4 =	vand.u32 $0xFFFFFFC0, v60  }
0x13f: {  	v3 =	vor.u32 v3, v4  }
0x140: {  	v4 =	vperm.xlane v3, v0;
	_ =	sdelay $0x1  }
0x141: {  	v4 =	vadd.s32 v1, v4;
	_ =	sdelay $0x4  }
0x142: {  	[tilespmem:s9], [sflag:$0x1] =	stream.indirect_vreg.gather [hbm4b:s3+s2], $0x80, v4, vm0, $0xb8;
	[tilespmem:$0x10400] =	vst v63  }
0x143: {  	v3 =	vperm.xlane v3, v2  }
0x144: {  	[tilespmem:s21], [sflag:$0x1] =	stream.indirect_vreg.gather [hbm4b:s4+s2], $0x80, v4, vm0, $0xb8;
	[tilespmem:$0x10400] =	vst v63  }
0x145: {  	v3 =	vadd.s32 v1, v3  }
0x146: {  	[tilespmem:s22], [sflag:$0x1] =	stream.indirect_vreg.gather [hbm4b:s5+s2], $0x80, v4, vm0, $0xb8;
	[tilespmem:$0x10400] =	vst v63  }
0x147: {  	_ = 	snop  }
0x148: {  	[tilespmem:s23], [sflag:$0x1] =	stream.indirect_vreg.gather [hbm4b:s6+s2], $0x80, v4, vm0, $0xb8;
	[tilespmem:$0x10400] =	vst v63  }
0x149: {  	_ = 	snop  }
0x14a: {  	[tilespmem:s24], [sflag:$0x1] =	stream.indirect_vreg.gather [hbm4b:s3+s2], $0x80, v3, vm0, $0xb8;
	[tilespmem:$0x10400] =	vst v63  }
0x14b: {  	_ = 	snop  }
0x14c: {  	[tilespmem:s26], [sflag:$0x1] =	stream.indirect_vreg.gather [hbm4b:s4+s2], $0x80, v3, vm0, $0xb8;
	[tilespmem:$0x10400] =	vst v63  }
0x14d: {  	_ = 	snop  }
0x14e: {  	[tilespmem:s28], [sflag:$0x1] =	stream.indirect_vreg.gather [hbm4b:s5+s2], $0x80, v3, vm0, $0xb8;
	[tilespmem:$0x10400] =	vst v63  }
0x14f: {  	_ = 	snop  }
0x150: {  	[tilespmem:s29], [sflag:$0x1] =	stream.indirect_vreg.gather [hbm4b:s6+s2], $0x80, v3, vm0, $0xb8;
	[tilespmem:$0x10400] =	vst v63  }
0x151: {  	v3 =	vld [tilespmem:$0x310];
	_ =	sdelay $0x4  }
0x152: {  	v61 =	vshll.u32 v3, $0x3  }
0x153: {  	v3 =	vand.u32 $0x7, v3;
	v4 =	vand.u32 $0xFFFFFFC0, v61  }
0x154: {  	v3 =	vor.u32 v3, v4  }
0x155: {  	v4 =	vperm.xlane v3, v0;
	_ =	sdelay $0x1  }
0x156: {  	v4 =	vadd.s32 v1, v4;
	_ =	sdelay $0x4  }
0x157: {  	[tilespmem:s30], [sflag:$0x1] =	stream.indirect_vreg.gather [hbm4b:s3+s2], $0x80, v4, vm0, $0xb8;
	[tilespmem:$0x10400] =	vst v63  }
0x158: {  	v3 =	vperm.xlane v3, v2  }
0x159: {  	[tilespmem:s31], [sflag:$0x1] =	stream.indirect_vreg.gather [hbm4b:s4+s2], $0x80, v4, vm0, $0xb8;
	[tilespmem:$0x10400] =	vst v63  }
0x15a: {  	v3 =	vadd.s32 v1, v3  }
0x15b: {  	[tilespmem:s16], [sflag:$0x1] =	stream.indirect_vreg.gather [hbm4b:s5+s2], $0x80, v4, vm0, $0xb8;
	[tilespmem:$0x10400] =	vst v63  }
0x15c: {  	_ = 	snop  }
0x15d: {  	[tilespmem:s15], [sflag:$0x1] =	stream.indirect_vreg.gather [hbm4b:s6+s2], $0x80, v4, vm0, $0xb8;
	[tilespmem:$0x10400] =	vst v63  }
0x15e: {  	_ = 	snop  }
0x15f: {  	[tilespmem:s10], [sflag:$0x1] =	stream.indirect_vreg.gather [hbm4b:s3+s2], $0x80, v3, vm0, $0xb8;
	[tilespmem:$0x10400] =	vst v63  }
0x160: {  	_ = 	snop  }
0x161: {  	[tilespmem:s11], [sflag:$0x1] =	stream.indirect_vreg.gather [hbm4b:s4+s2], $0x80, v3, vm0, $0xb8;
	[tilespmem:$0x10400] =	vst v63  }
0x162: {  	_ = 	snop  }
0x163: {  	[tilespmem:s12], [sflag:$0x1] =	stream.indirect_vreg.gather [hbm4b:s5+s2], $0x80, v3, vm0, $0xb8;
	[tilespmem:$0x10400] =	vst v63  }
0x164: {  	_ = 	snop  }
0x165: {  	[tilespmem:s13], [sflag:$0x1] =	stream.indirect_vreg.gather [hbm4b:s6+s2], $0x80, v3, vm0, $0xb8;
	[tilespmem:$0x10400] =	vst v63  }
0x166: {  	_ =	swait.ge [sflag:s19], $0x8000  }
0x167: {  	[sflag:s19] =	ssyncset.done $0x0  }
0x168: {  	s10 =	rddreg [dreg:$0x8];
	[sflag:s19] =	ssyncadd.s32 $0xFFFF8000  }
0x169: {  	[hbm4b:s10+s2] =	stream.linear.scatter [tilespmem:s25], [sflag:$0x3], $0x8000, $0x38;
	[tilespmem:$0x10400] =	vst v63  }
0x16a: {  	_ =	swait.ge [sflag:s8], $0x8000  }
0x16b: {  	[sflag:s8] =	ssyncset.done $0x0  }
0x16c: {  	[sflag:s8] =	ssyncadd.s32 $0xFFFF8000  }
0x16d: {  	v3 =	vld [tilespmem:$0x380];
	_ =	sdelay $0x4  }
0x16e: {  	v62 =	vshll.u32 v3, $0x3  }
0x16f: {  	v3 =	vand.u32 $0x7, v3;
	v4 =	vand.u32 $0xFFFFFFC0, v62  }
0x170: {  	v3 =	vor.u32 v3, v4  }
0x171: {  	v4 =	vperm.xlane v3, v0;
	_ =	sdelay $0x1  }
0x172: {  	v4 =	vadd.s32 v1, v4;
	_ =	sdelay $0x4  }
0x173: {  	[tilespmem:s25], [sflag:$0x2] =	stream.indirect_vreg.gather [hbm4b:s3+s2], $0x80, v4, vm0, $0xb8;
	[tilespmem:$0x10400] =	vst v63  }
0x174: {  	s20 =	simm.s32 $0x8C00;
	v3 =	vperm.xlane v3, v2  }
0x175: {  	[tilespmem:s20], [sflag:$0x2] =	stream.indirect_vreg.gather [hbm4b:s4+s2], $0x80, v4, vm0, $0xb8;
	[tilespmem:$0x10400] =	vst v63  }
0x176: {  	s0 =	simm.s32 $0x9400;
	v3 =	vadd.s32 v1, v3  }
0x177: {  	[tilespmem:s0], [sflag:$0x2] =	stream.indirect_vreg.gather [hbm4b:s5+s2], $0x80, v4, vm0, $0xb8;
	[tilespmem:$0x10400] =	vst v63  }
0x178: {  	s1 =	simm.s32 $0x9C00  }
0x179: {  	[tilespmem:s1], [sflag:$0x2] =	stream.indirect_vreg.gather [hbm4b:s6+s2], $0x80, v4, vm0, $0xb8;
	[tilespmem:$0x10400] =	vst v63  }
0x17a: {  	s10 =	simm.s32 $0xA400  }
0x17b: {  	[tilespmem:s10], [sflag:$0x2] =	stream.indirect_vreg.gather [hbm4b:s3+s2], $0x80, v3, vm0, $0xb8;
	[tilespmem:$0x10400] =	vst v63  }
0x17c: {  	s14 =	simm.s32 $0xAC00  }
0x17d: {  	[tilespmem:s14], [sflag:$0x2] =	stream.indirect_vreg.gather [hbm4b:s4+s2], $0x80, v3, vm0, $0xb8;
	[tilespmem:$0x10400] =	vst v63  }
0x17e: {  	s17 =	simm.s32 $0xB400  }
0x17f: {  	[tilespmem:s17], [sflag:$0x2] =	stream.indirect_vreg.gather [hbm4b:s5+s2], $0x80, v3, vm0, $0xb8;
	[tilespmem:$0x10400] =	vst v63  }
0x180: {  	s17 =	simm.s32 $0xBC00  }
0x181: {  	[tilespmem:s17], [sflag:$0x2] =	stream.indirect_vreg.gather [hbm4b:s6+s2], $0x80, v3, vm0, $0xb8;
	[tilespmem:$0x10400] =	vst v63  }
0x182: {  	v3 =	vld [tilespmem:$0x390];
	_ =	sdelay $0x4  }
0x183: {  	v63 =	vshll.u32 v3, $0x3  }
0x184: {  	v3 =	vand.u32 $0x7, v3;
	v4 =	vand.u32 $0xFFFFFFC0, v63  }
0x185: {  	v3 =	vor.u32 v3, v4  }
0x186: {  	v4 =	vperm.xlane v3, v0;
	_ =	sdelay $0x1  }
0x187: {  	v4 =	vadd.s32 v1, v4;
	_ =	sdelay $0x3  }
0x188: {  	s20 =	simm.s32 $0xC400  }
0x189: {  	[tilespmem:s20], [sflag:$0x2] =	stream.indirect_vreg.gather [hbm4b:s3+s2], $0x80, v4, vm0, $0xb8;
	[tilespmem:$0x10400] =	vst v63  }
0x18a: {  	s1 =	simm.s32 $0xCC00;
	v3 =	vperm.xlane v3, v2  }
0x18b: {  	[tilespmem:s1], [sflag:$0x2] =	stream.indirect_vreg.gather [hbm4b:s4+s2], $0x80, v4, vm0, $0xb8;
	[tilespmem:$0x10400] =	vst v63  }
0x18c: {  	s10 =	simm.s32 $0xD400;
	v3 =	vadd.s32 v1, v3  }
0x18d: {  	[tilespmem:s10], [sflag:$0x2] =	stream.indirect_vreg.gather [hbm4b:s5+s2], $0x80, v4, vm0, $0xb8;
	[tilespmem:$0x10400] =	vst v63  }
0x18e: {  	s14 =	simm.s32 $0xDC00  }
0x18f: {  	[tilespmem:s14], [sflag:$0x2] =	stream.indirect_vreg.gather [hbm4b:s6+s2], $0x80, v4, vm0, $0xb8;
	[tilespmem:$0x10400] =	vst v63  }
0x190: {  	s17 =	simm.s32 $0xE400  }
0x191: {  	[tilespmem:s17], [sflag:$0x2] =	stream.indirect_vreg.gather [hbm4b:s3+s2], $0x80, v3, vm0, $0xb8;
	[tilespmem:$0x10400] =	vst v63  }
0x192: {  	s20 =	simm.s32 $0xEC00  }
0x193: {  	[tilespmem:s20], [sflag:$0x2] =	stream.indirect_vreg.gather [hbm4b:s4+s2], $0x80, v3, vm0, $0xb8;
	[tilespmem:$0x10400] =	vst v63  }
0x194: {  	s1 =	simm.s32 $0xF400  }
0x195: {  	[tilespmem:s1], [sflag:$0x2] =	stream.indirect_vreg.gather [hbm4b:s5+s2], $0x80, v3, vm0, $0xb8;
	[tilespmem:$0x10400] =	vst v63  }
0x196: {  	s10 =	simm.s32 $0xFC00  }
0x197: {  	[tilespmem:s10], [sflag:$0x2] =	stream.indirect_vreg.gather [hbm4b:s6+s2], $0x80, v3, vm0, $0xb8;
	[tilespmem:$0x10400] =	vst v63  }
0x198: {  	_ =	swait.ge [sflag:s18], $0x8000  }
0x199: {  	[sflag:s18] =	ssyncset.done $0x0  }
0x19a: {  	s14 =	rddreg [dreg:$0x9];
	[sflag:s18] =	ssyncadd.s32 $0xFFFF8000  }
0x19b: {  	[hbm4b:s14+s2] =	stream.linear.scatter [tilespmem:s9], [sflag:$0x3], $0x8000, $0x38;
	[tilespmem:$0x10400] =	vst v63  }
0x19c: {  	_ =	swait.ge [sflag:s8], $0x8000  }
0x19d: {  	[sflag:s8] =	ssyncset.done $0x0  }
0x19e: {  	[sflag:s8] =	ssyncadd.s32 $0xFFFF8000  }
0x19f: {  	_ =	swait.ge [sflag:s19], $0x8000  }
0x1a0: {  	p0 =	sne.s32 s7, $0x1;
	[sflag:s19] =	ssyncset.done $0x0  }
.Ltmp0:
0x1a1: {  	s17 =	rddreg [dreg:$0xa];
	[sflag:s19] =	ssyncadd.s32 $0xFFFF8000;
	(pc) =	sbr.rel @p0 .LBB2_1-.Ltmp0, $4  }
0x1a2: {  	[hbm4b:s17+s2] =	stream.linear.scatter [tilespmem:s25], [sflag:$0x3], $0x8000, $0x38;
	[tilespmem:$0x10400] =	vst v63  }
0x1a3: {  	_ =	swait.ge [sflag:s8], $0x8000  }
0x1a4: {  	[sflag:s8] =	ssyncset.done $0x0  }
0x1a5: {  	s7 =	sadd.s32 $0xFFFFFFFF, s7;
	[sflag:s8] =	ssyncadd.s32 $0xFFFF8000  }
0x1a6: {  	_ =	sfence.sel $0x180000  }
0x1a7: {  	[bflag:$0x0] =	sbarrier.arrive $0xFFFF  }
0x1a8: {  	_ =	strace $0x90000047  }
0x1a9: {  	s0 =	stileid.u32;
	[bflag:$0x2] =	sbarrier.arrive $0xFFFF  }
0x1aa: {  	p0 =	sne.s32 s0, $0x0;
	s0 =	rddreg [dreg:$0x1]  }
0x1ab: {  	s0 =	sadd.s32 @!p0 $0x100000, s0  }
0x1ac: {  	[sflag:s0] =	ssyncadd.tile.s32 @!p0 $0x1;
	_ =	shalt  }
.Lfunc_end2:
_tile_overlayer_lowered:
.L_overlay_start_2:
0x1ad: {  	(tag) =	ssettag $0x2  }
0x1ae: {  	s0 =	rddreg [dreg:$0x0];
	s2 =	stileid.u32  }
0x1af: {  	s1 =	rddreg [dreg:$0x1];
	p0 =	sne.s32 s2, $0x0  }
0x1b0: {  	s3 =	rddreg [dreg:$0x2];
	[bflag:$0x3] =	sbarrier.arrive $0xFFFF;
	s2 =	simm.s32 @!p0 $0x1C03  }
0x1b1: {  	[timem:s3], [sflag:s2] =	dma.local @!p0 [hbm:s0], s1  }
0x1b2: {  	s0 =	simm.s32 @!p0 $0x3  }
0x1b3: {  	_ =	swait.ge @!p0 [sflag:s0], s1  }
0x1b4: {  	s1 =	ssub.s32 @!p0 $0x0, s1;
	[sflag:s0] =	ssyncset.done @!p0 $0x0  }
0x1b5: {  	[sflag:s0] =	ssyncadd.s32 @!p0 s1  }
0x1b6: {  	[bflag:$0x3] =	sbarrier.arrive $0xFFFF  }
0x1b7: {  	_ =	shalt  }

</sc_bundles>
